<compile_context>
chip_gen: v7x
topology: tpu7x:2x2x1
jax: 0.10.2.dev20260603
libtpu: 0.0.44.dev20260713+nightly
codegen_flags: <defaults>
</compile_context>

<pallas_src>
import functools
import math

import jax
import jax.numpy as jnp
import numpy as np
from jax import lax
from jax.experimental import pallas as pl
from jax.experimental.pallas import tpu as pltpu
from jax.experimental.pallas import tpu_sc as plsc

_PAD = 0
_SMOOTHING = 0.1
_CONF = 1.0 - _SMOOTHING


def _tc_body(smooth, K, x_ref, t_ref, out_ref):
    i = pl.program_id(0)
    xb = x_ref[...]
    tb = t_ref[0, 0, :]
    rowsum = jnp.sum(xb, axis=1)
    col0 = xb[:, 0]
    valid = tb != _PAD
    contrib = jnp.where(valid, K - smooth * (rowsum - col0), 0.0)
    s = jnp.sum(contrib).reshape(1, 1)

    @pl.when(i == 0)
    def _():
        out_ref[...] = jnp.zeros_like(out_ref)

    out_ref[...] += s


def _tc_partial(x, target, smooth, K):
    n, size = x.shape
    BR = 128
    nb = n // BR
    t3 = target.reshape(nb, 1, BR)
    out = pl.pallas_call(
        functools.partial(_tc_body, smooth, K),
        grid=(nb,),
        in_specs=[
            pl.BlockSpec((BR, size), lambda i: (i, 0)),
            pl.BlockSpec((1, 1, BR), lambda i: (i, 0, 0)),
        ],
        out_specs=pl.BlockSpec((1, 1), lambda i: (0, 0)),
        out_shape=jax.ShapeDtypeStruct((1, 1), jnp.float32),
    )(x, t3)
    return out[0, 0]


def _sc_gather_partials(x, target, coef):
    n, size = x.shape
    info = plsc.get_sparse_core_info()
    NC, NS, L = info.num_cores, info.num_subcores, info.num_lanes
    NW = NC * NS
    rpw = n // NW
    coef = float(coef)

    def body(x_hbm, t_hbm, out_hbm, tv, rowbuf, sbuf, sem):
        wid = lax.axis_index("s") * NC + lax.axis_index("c")
        base = wid * rpw
        pltpu.sync_copy(t_hbm.at[pl.ds(base, rpw)], tv)

        for j in range(rpw // L):
            tvj = tv[pl.ds(j * L, L)]
            c0j = tvj & -128
            for l in range(L):
                i = j * L + l
                pltpu.async_copy(
                    x_hbm.at[pl.ds(base + (i & -8), 8),
                             pl.ds(pl.multiple_of(c0j[l], 128), 128)],
                    rowbuf.at[i], sem)

        def drain(i, carry):
            pltpu.make_async_copy(
                x_hbm.at[pl.ds(0, 8), pl.ds(0, 128)], rowbuf.at[i], sem).wait()
            return carry

        lax.fori_loop(0, rpw, drain, 0)

        s = jnp.zeros((L,), jnp.float32)
        for j in range(rpw // L):
            tb = tv[pl.ds(j * L, L)]
            rowids = j * L + lax.iota(jnp.int32, L)
            vals = plsc.load_gather(rowbuf, [rowids, rowids & 7, tb & 127])
            s = s + jnp.where(tb != _PAD, vals * coef, 0.0)
        sbuf[...] = s
        pltpu.sync_copy(sbuf, out_hbm.at[wid])

    mesh = plsc.VectorSubcoreMesh(core_axis_name="c", subcore_axis_name="s")
    run = pl.kernel(
        body,
        mesh=mesh,
        compiler_params=pltpu.CompilerParams(needs_layout_passes=False),
        cost_estimate=pl.CostEstimate(
            flops=4 * n, transcendentals=0,
            bytes_accessed=n * 8 * 128 * 4 + n * 4 + NW * L * 4),
        out_type=jax.ShapeDtypeStruct((NW, L), jnp.float32),
        scratch_types=[
            pltpu.VMEM((rpw,), jnp.int32),
            pltpu.VMEM((rpw, 8, 128), jnp.float32),
            pltpu.VMEM((L,), jnp.float32),
            pltpu.SemaphoreType.DMA,
        ],
    )
    return run(x, target)


def kernel(x, target):
    n, size = x.shape
    smooth = float(np.float32(_SMOOTHING / (size - 2)))
    K = (size - 2) * smooth * math.log(smooth) + _CONF * math.log(_CONF)

    sB = _sc_gather_partials(x, target, smooth - _CONF)
    sA = _tc_partial(x, target, smooth, K)
    return sA + jnp.sum(sB)

# --- scband reference (transcript-rebuilt; emitter-appended) ---
"""Pipeline reference for scband-label-smoothing-54271206752413 (READ-ONLY COPY).

The authoritative reference and input builder live on the scoring server;
editing this copy changes nothing except your own understanding.
"""

import jax, jax.numpy as jnp
import numpy as np

SIZE = 32000
PAD_IDX = 0
SMOOTHING = 0.1
CONFIDENCE = 1.0 - SMOOTHING
N = 2048


def setup_inputs(seed: int = 0) -> dict:
    key = jax.random.key(seed)
    k1, k2 = jax.random.split(key)
    # x plays the role of per-token log-probabilities (KLDivLoss expects log-input;
    # the torch harness also feeds raw randn, and kl_div is well-defined for any input).
    x = jax.random.normal(k1, (N, SIZE), dtype=jnp.float32)
    target = jax.random.randint(k2, (N,), 0, SIZE, dtype=jnp.int32)
    return {"x": x, "target": target}


def reference(x, target):
    n, size = x.shape
    # Build smoothed true distribution, matching torch forward exactly.
    true_dist = jnp.full((n, size), SMOOTHING / (size - 2), dtype=x.dtype)
    rows = jnp.arange(n)
    true_dist = true_dist.at[rows, target].set(CONFIDENCE)  # scatter_(1, target, confidence)
    true_dist = true_dist.at[:, PAD_IDX].set(0.0)           # zero padding column
    pad_mask = (target == PAD_IDX)
    true_dist = jnp.where(pad_mask[:, None], 0.0, true_dist)  # index_fill_ rows of padding targets
    # nn.KLDivLoss(size_average=False): sum over all elements of t * (log(t) - x),
    # with the xlogy convention 0 * log(0) = 0.
    loss = jnp.sum(jax.scipy.special.xlogy(true_dist, true_dist) - true_dist * x)
    return loss

if __name__ == "__main__":
    import jax
    _d = setup_inputs()
    print(jax.jit(kernel)(*tuple(_d.values())))

</pallas_src>

<mosaic_0001>
#map = affine_map<(d0, d1) -> (0, 0)>
#map1 = affine_map<(d0, d1) -> (0)>
module attributes {stable_mosaic.version = 14 : i64} {
  func.func @body(%arg0: i32, %arg1: i32, %arg2: memref<2048x32000xf32, #tpu.memory_space<hbm>>, %arg3: memref<2048xi32, #tpu.memory_space<hbm>>, %arg4: memref<32x16xf32, #tpu.memory_space<hbm>>, %arg5: memref<64xi32, #tpu.memory_space<vmem>>, %arg6: memref<64x8x128xf32, #tpu.memory_space<vmem>>, %arg7: memref<16xf32, #tpu.memory_space<vmem>>, %arg8: memref<!tpu.dma_semaphore, #tpu.memory_space<semaphore_mem>>) attributes {dimension_semantics = [#tpu.dimension_semantics<core_parallel>, #tpu.dimension_semantics<subcore_parallel>], iteration_bounds = array<i64: 2, 16>, scalar_prefetch = 0 : i64, scratch_operands = 4 : i64, tpu.core_type = #tpu.core_type<sc_vector_subcore>, window_params = [{transform_indices = #map}, {transform_indices = #map1}, {transform_indices = #map}]} {
    %mul3A = arith.constant 2 : i32
    %mul3A_0 = arith.muli %arg1, %mul3A : i32
    %add3A = arith.addi %mul3A_0, %arg0 : i32
    %mul3A_1 = arith.constant 64 : i32
    %mul3A_2 = arith.muli %add3A, %mul3A_1 : i32
    "tpu.region"() ({
      %run_scoped3A = tpu.sem_alloc : memref<!tpu.dma_semaphore, #tpu.memory_space<semaphore_mem>>
      %dma_start3A_1135 = tpu.memref_slice %arg3[%mul3A_2] : memref<2048xi32, #tpu.memory_space<hbm>> -> memref<64xi32, #tpu.memory_space<hbm>>
      %dma_start3A_1136 = tpu.memref_slice %arg3[%mul3A_2] : memref<2048xi32, #tpu.memory_space<hbm>> -> memref<64xi32, #tpu.memory_space<hbm>>
      tpu.enqueue_dma source(%dma_start3A_1136 : memref<64xi32, #tpu.memory_space<hbm>>) target(%arg5 : memref<64xi32, #tpu.memory_space<vmem>>) target_semaphore(%run_scoped3A : memref<!tpu.dma_semaphore, #tpu.memory_space<semaphore_mem>>)
      %dma_wait3A = tpu.memref_slice %arg3[%mul3A_2] : memref<2048xi32, #tpu.memory_space<hbm>> -> memref<64xi32, #tpu.memory_space<hbm>>
      %dma_wait3A_1137 = tpu.memref_slice %arg3[%mul3A_2] : memref<2048xi32, #tpu.memory_space<hbm>> -> memref<64xi32, #tpu.memory_space<hbm>>
      tpu.wait_dma2 semaphore(%run_scoped3A : memref<!tpu.dma_semaphore, #tpu.memory_space<semaphore_mem>>) src(%dma_wait3A_1137 : memref<64xi32, #tpu.memory_space<hbm>>) dst(%arg5 : memref<64xi32, #tpu.memory_space<vmem>>)
      tpu.yield
    }) : () -> ()
    %get3A = arith.constant 0 : index
    %get3A_3 = tpu.vector_load %arg5[%get3A] {strides = array<i32>} : memref<64xi32, #tpu.memory_space<vmem>>, vector<16xi32>,
    %and3A = arith.constant -128 : i32
    %and3A_4 = vector.broadcast %and3A : i32 to vector<16xi32>
    %and3A_5 = arith.andi %get3A_3, %and3A_4 : vector<16xi32>
    %add3A_6 = arith.constant 0 : i32
    %add3A_7 = arith.addi %mul3A_2, %add3A_6 : i32
    %slice3A = vector.extract_strided_slice %and3A_5 {offsets = [0], sizes = [1], strides = [1]} : vector<16xi32> to vector<1xi32>
    %squeeze3A = vector.extract %slice3A[0] : i32 from vector<1xi32>
    %multiple_of3A = tpu.assume_multiple %squeeze3A, 128 : i32
    %dma_start3A = arith.constant 0 : i32
    %dma_start3A_8 = arith.constant 0 : i32
    %dma_start3A_9 = arith.constant 0 : i32
    %dma_start3A_10 = tpu.memref_slice %arg6[%dma_start3A, %dma_start3A_8, %dma_start3A_9] : memref<64x8x128xf32, #tpu.memory_space<vmem>> -> memref<1x8x128xf32, #tpu.memory_space<vmem>>
    %dma_start3A_11 = tpu.memref_squeeze %dma_start3A_10 : memref<1x8x128xf32, #tpu.memory_space<vmem>> -> memref<8x128xf32, #tpu.memory_space<vmem>>
    %dma_start3A_12 = tpu.memref_slice %arg2[%add3A_7, %multiple_of3A] : memref<2048x32000xf32, #tpu.memory_space<hbm>> -> memref<8x128xf32, #tpu.memory_space<hbm>>
    %dma_start3A_13 = arith.constant 0 : i32
    %dma_start3A_14 = arith.constant 0 : i32
    %dma_start3A_15 = tpu.memref_slice %arg6[%dma_start3A, %dma_start3A_13, %dma_start3A_14] : memref<64x8x128xf32, #tpu.memory_space<vmem>> -> memref<1x8x128xf32, #tpu.memory_space<vmem>>
    %dma_start3A_16 = tpu.memref_squeeze %dma_start3A_15 : memref<1x8x128xf32, #tpu.memory_space<vmem>> -> memref<8x128xf32, #tpu.memory_space<vmem>>
    %dma_start3A_17 = tpu.memref_slice %arg2[%add3A_7, %multiple_of3A] : memref<2048x32000xf32, #tpu.memory_space<hbm>> -> memref<8x128xf32, #tpu.memory_space<hbm>>
    tpu.enqueue_dma source(%dma_start3A_17 : memref<8x128xf32, #tpu.memory_space<hbm>>) target(%dma_start3A_16 : memref<8x128xf32, #tpu.memory_space<vmem>>) target_semaphore(%arg8 : memref<!tpu.dma_semaphore, #tpu.memory_space<semaphore_mem>>)
    %add3A_18 = arith.constant 0 : i32
    %add3A_19 = arith.addi %mul3A_2, %add3A_18 : i32
    %slice3A_20 = vector.extract_strided_slice %and3A_5 {offsets = [1], sizes = [1], strides = [1]} : vector<16xi32> to vector<1xi32>
    %squeeze3A_21 = vector.extract %slice3A_20[0] : i32 from vector<1xi32>
    %multiple_of3A_22 = tpu.assume_multiple %squeeze3A_21, 128 : i32
    %dma_start3A_23 = arith.constant 1 : i32
    %dma_start3A_24 = arith.constant 0 : i32
    %dma_start3A_25 = arith.constant 0 : i32
    %dma_start3A_26 = tpu.memref_slice %arg6[%dma_start3A_23, %dma_start3A_24, %dma_start3A_25] : memref<64x8x128xf32, #tpu.memory_space<vmem>> -> memref<1x8x128xf32, #tpu.memory_space<vmem>>
    %dma_start3A_27 = tpu.memref_squeeze %dma_start3A_26 : memref<1x8x128xf32, #tpu.memory_space<vmem>> -> memref<8x128xf32, #tpu.memory_space<vmem>>
    %dma_start3A_28 = tpu.memref_slice %arg2[%add3A_19, %multiple_of3A_22] : memref<2048x32000xf32, #tpu.memory_space<hbm>> -> memref<8x128xf32, #tpu.memory_space<hbm>>
    %dma_start3A_29 = arith.constant 0 : i32
    %dma_start3A_30 = arith.constant 0 : i32
    %dma_start3A_31 = tpu.memref_slice %arg6[%dma_start3A_23, %dma_start3A_29, %dma_start3A_30] : memref<64x8x128xf32, #tpu.memory_space<vmem>> -> memref<1x8x128xf32, #tpu.memory_space<vmem>>
    %dma_start3A_32 = tpu.memref_squeeze %dma_start3A_31 : memref<1x8x128xf32, #tpu.memory_space<vmem>> -> memref<8x128xf32, #tpu.memory_space<vmem>>
    %dma_start3A_33 = tpu.memref_slice %arg2[%add3A_19, %multiple_of3A_22] : memref<2048x32000xf32, #tpu.memory_space<hbm>> -> memref<8x128xf32, #tpu.memory_space<hbm>>
    tpu.enqueue_dma source(%dma_start3A_33 : memref<8x128xf32, #tpu.memory_space<hbm>>) target(%dma_start3A_32 : memref<8x128xf32, #tpu.memory_space<vmem>>) target_semaphore(%arg8 : memref<!tpu.dma_semaphore, #tpu.memory_space<semaphore_mem>>)
    %add3A_34 = arith.constant 0 : i32
    %add3A_35 = arith.addi %mul3A_2, %add3A_34 : i32
    %slice3A_36 = vector.extract_strided_slice %and3A_5 {offsets = [2], sizes = [1], strides = [1]} : vector<16xi32> to vector<1xi32>
    %squeeze3A_37 = vector.extract %slice3A_36[0] : i32 from vector<1xi32>
    %multiple_of3A_38 = tpu.assume_multiple %squeeze3A_37, 128 : i32
    %dma_start3A_39 = arith.constant 2 : i32
    %dma_start3A_40 = arith.constant 0 : i32
    %dma_start3A_41 = arith.constant 0 : i32
    %dma_start3A_42 = tpu.memref_slice %arg6[%dma_start3A_39, %dma_start3A_40, %dma_start3A_41] : memref<64x8x128xf32, #tpu.memory_space<vmem>> -> memref<1x8x128xf32, #tpu.memory_space<vmem>>
    %dma_start3A_43 = tpu.memref_squeeze %dma_start3A_42 : memref<1x8x128xf32, #tpu.memory_space<vmem>> -> memref<8x128xf32, #tpu.memory_space<vmem>>
    %dma_start3A_44 = tpu.memref_slice %arg2[%add3A_35, %multiple_of3A_38] : memref<2048x32000xf32, #tpu.memory_space<hbm>> -> memref<8x128xf32, #tpu.memory_space<hbm>>
    %dma_start3A_45 = arith.constant 0 : i32
    %dma_start3A_46 = arith.constant 0 : i32
    %dma_start3A_47 = tpu.memref_slice %arg6[%dma_start3A_39, %dma_start3A_45, %dma_start3A_46] : memref<64x8x128xf32, #tpu.memory_space<vmem>> -> memref<1x8x128xf32, #tpu.memory_space<vmem>>
    %dma_start3A_48 = tpu.memref_squeeze %dma_start3A_47 : memref<1x8x128xf32, #tpu.memory_space<vmem>> -> memref<8x128xf32, #tpu.memory_space<vmem>>
    %dma_start3A_49 = tpu.memref_slice %arg2[%add3A_35, %multiple_of3A_38] : memref<2048x32000xf32, #tpu.memory_space<hbm>> -> memref<8x128xf32, #tpu.memory_space<hbm>>
    tpu.enqueue_dma source(%dma_start3A_49 : memref<8x128xf32, #tpu.memory_space<hbm>>) target(%dma_start3A_48 : memref<8x128xf32, #tpu.memory_space<vmem>>) target_semaphore(%arg8 : memref<!tpu.dma_semaphore, #tpu.memory_space<semaphore_mem>>)
    %add3A_50 = arith.constant 0 : i32
    %add3A_51 = arith.addi %mul3A_2, %add3A_50 : i32
    %slice3A_52 = vector.extract_strided_slice %and3A_5 {offsets = [3], sizes = [1], strides = [1]} : vector<16xi32> to vector<1xi32>
    %squeeze3A_53 = vector.extract %slice3A_52[0] : i32 from vector<1xi32>
    %multiple_of3A_54 = tpu.assume_multiple %squeeze3A_53, 128 : i32
    %dma_start3A_55 = arith.constant 3 : i32
    %dma_start3A_56 = arith.constant 0 : i32
    %dma_start3A_57 = arith.constant 0 : i32
    %dma_start3A_58 = tpu.memref_slice %arg6[%dma_start3A_55, %dma_start3A_56, %dma_start3A_57] : memref<64x8x128xf32, #tpu.memory_space<vmem>> -> memref<1x8x128xf32, #tpu.memory_space<vmem>>
    %dma_start3A_59 = tpu.memref_squeeze %dma_start3A_58 : memref<1x8x128xf32, #tpu.memory_space<vmem>> -> memref<8x128xf32, #tpu.memory_space<vmem>>
    %dma_start3A_60 = tpu.memref_slice %arg2[%add3A_51, %multiple_of3A_54] : memref<2048x32000xf32, #tpu.memory_space<hbm>> -> memref<8x128xf32, #tpu.memory_space<hbm>>
    %dma_start3A_61 = arith.constant 0 : i32
    %dma_start3A_62 = arith.constant 0 : i32
    %dma_start3A_63 = tpu.memref_slice %arg6[%dma_start3A_55, %dma_start3A_61, %dma_start3A_62] : memref<64x8x128xf32, #tpu.memory_space<vmem>> -> memref<1x8x128xf32, #tpu.memory_space<vmem>>
    %dma_start3A_64 = tpu.memref_squeeze %dma_start3A_63 : memref<1x8x128xf32, #tpu.memory_space<vmem>> -> memref<8x128xf32, #tpu.memory_space<vmem>>
    %dma_start3A_65 = tpu.memref_slice %arg2[%add3A_51, %multiple_of3A_54] : memref<2048x32000xf32, #tpu.memory_space<hbm>> -> memref<8x128xf32, #tpu.memory_space<hbm>>
    tpu.enqueue_dma source(%dma_start3A_65 : memref<8x128xf32, #tpu.memory_space<hbm>>) target(%dma_start3A_64 : memref<8x128xf32, #tpu.memory_space<vmem>>) target_semaphore(%arg8 : memref<!tpu.dma_semaphore, #tpu.memory_space<semaphore_mem>>)
    %add3A_66 = arith.constant 0 : i32
    %add3A_67 = arith.addi %mul3A_2, %add3A_66 : i32
    %slice3A_68 = vector.extract_strided_slice %and3A_5 {offsets = [4], sizes = [1], strides = [1]} : vector<16xi32> to vector<1xi32>
    %squeeze3A_69 = vector.extract %slice3A_68[0] : i32 from vector<1xi32>
    %multiple_of3A_70 = tpu.assume_multiple %squeeze3A_69, 128 : i32
    %dma_start3A_71 = arith.constant 4 : i32
    %dma_start3A_72 = arith.constant 0 : i32
    %dma_start3A_73 = arith.constant 0 : i32
    %dma_start3A_74 = tpu.memref_slice %arg6[%dma_start3A_71, %dma_start3A_72, %dma_start3A_73] : memref<64x8x128xf32, #tpu.memory_space<vmem>> -> memref<1x8x128xf32, #tpu.memory_space<vmem>>
    %dma_start3A_75 = tpu.memref_squeeze %dma_start3A_74 : memref<1x8x128xf32, #tpu.memory_space<vmem>> -> memref<8x128xf32, #tpu.memory_space<vmem>>
    %dma_start3A_76 = tpu.memref_slice %arg2[%add3A_67, %multiple_of3A_70] : memref<2048x32000xf32, #tpu.memory_space<hbm>> -> memref<8x128xf32, #tpu.memory_space<hbm>>
    %dma_start3A_77 = arith.constant 0 : i32
    %dma_start3A_78 = arith.constant 0 : i32
    %dma_start3A_79 = tpu.memref_slice %arg6[%dma_start3A_71, %dma_start3A_77, %dma_start3A_78] : memref<64x8x128xf32, #tpu.memory_space<vmem>> -> memref<1x8x128xf32, #tpu.memory_space<vmem>>
    %dma_start3A_80 = tpu.memref_squeeze %dma_start3A_79 : memref<1x8x128xf32, #tpu.memory_space<vmem>> -> memref<8x128xf32, #tpu.memory_space<vmem>>
    %dma_start3A_81 = tpu.memref_slice %arg2[%add3A_67, %multiple_of3A_70] : memref<2048x32000xf32, #tpu.memory_space<hbm>> -> memref<8x128xf32, #tpu.memory_space<hbm>>
    tpu.enqueue_dma source(%dma_start3A_81 : memref<8x128xf32, #tpu.memory_space<hbm>>) target(%dma_start3A_80 : memref<8x128xf32, #tpu.memory_space<vmem>>) target_semaphore(%arg8 : memref<!tpu.dma_semaphore, #tpu.memory_space<semaphore_mem>>)
    %add3A_82 = arith.constant 0 : i32
    %add3A_83 = arith.addi %mul3A_2, %add3A_82 : i32
    %slice3A_84 = vector.extract_strided_slice %and3A_5 {offsets = [5], sizes = [1], strides = [1]} : vector<16xi32> to vector<1xi32>
    %squeeze3A_85 = vector.extract %slice3A_84[0] : i32 from vector<1xi32>
    %multiple_of3A_86 = tpu.assume_multiple %squeeze3A_85, 128 : i32
    %dma_start3A_87 = arith.constant 5 : i32
    %dma_start3A_88 = arith.constant 0 : i32
    %dma_start3A_89 = arith.constant 0 : i32
    %dma_start3A_90 = tpu.memref_slice %arg6[%dma_start3A_87, %dma_start3A_88, %dma_start3A_89] : memref<64x8x128xf32, #tpu.memory_space<vmem>> -> memref<1x8x128xf32, #tpu.memory_space<vmem>>
    %dma_start3A_91 = tpu.memref_squeeze %dma_start3A_90 : memref<1x8x128xf32, #tpu.memory_space<vmem>> -> memref<8x128xf32, #tpu.memory_space<vmem>>
    %dma_start3A_92 = tpu.memref_slice %arg2[%add3A_83, %multiple_of3A_86] : memref<2048x32000xf32, #tpu.memory_space<hbm>> -> memref<8x128xf32, #tpu.memory_space<hbm>>
    %dma_start3A_93 = arith.constant 0 : i32
    %dma_start3A_94 = arith.constant 0 : i32
    %dma_start3A_95 = tpu.memref_slice %arg6[%dma_start3A_87, %dma_start3A_93, %dma_start3A_94] : memref<64x8x128xf32, #tpu.memory_space<vmem>> -> memref<1x8x128xf32, #tpu.memory_space<vmem>>
    %dma_start3A_96 = tpu.memref_squeeze %dma_start3A_95 : memref<1x8x128xf32, #tpu.memory_space<vmem>> -> memref<8x128xf32, #tpu.memory_space<vmem>>
    %dma_start3A_97 = tpu.memref_slice %arg2[%add3A_83, %multiple_of3A_86] : memref<2048x32000xf32, #tpu.memory_space<hbm>> -> memref<8x128xf32, #tpu.memory_space<hbm>>
    tpu.enqueue_dma source(%dma_start3A_97 : memref<8x128xf32, #tpu.memory_space<hbm>>) target(%dma_start3A_96 : memref<8x128xf32, #tpu.memory_space<vmem>>) target_semaphore(%arg8 : memref<!tpu.dma_semaphore, #tpu.memory_space<semaphore_mem>>)
    %add3A_98 = arith.constant 0 : i32
    %add3A_99 = arith.addi %mul3A_2, %add3A_98 : i32
    %slice3A_100 = vector.extract_strided_slice %and3A_5 {offsets = [6], sizes = [1], strides = [1]} : vector<16xi32> to vector<1xi32>
    %squeeze3A_101 = vector.extract %slice3A_100[0] : i32 from vector<1xi32>
    %multiple_of3A_102 = tpu.assume_multiple %squeeze3A_101, 128 : i32
    %dma_start3A_103 = arith.constant 6 : i32
    %dma_start3A_104 = arith.constant 0 : i32
    %dma_start3A_105 = arith.constant 0 : i32
    %dma_start3A_106 = tpu.memref_slice %arg6[%dma_start3A_103, %dma_start3A_104, %dma_start3A_105] : memref<64x8x128xf32, #tpu.memory_space<vmem>> -> memref<1x8x128xf32, #tpu.memory_space<vmem>>
    %dma_start3A_107 = tpu.memref_squeeze %dma_start3A_106 : memref<1x8x128xf32, #tpu.memory_space<vmem>> -> memref<8x128xf32, #tpu.memory_space<vmem>>
    %dma_start3A_108 = tpu.memref_slice %arg2[%add3A_99, %multiple_of3A_102] : memref<2048x32000xf32, #tpu.memory_space<hbm>> -> memref<8x128xf32, #tpu.memory_space<hbm>>
    %dma_start3A_109 = arith.constant 0 : i32
    %dma_start3A_110 = arith.constant 0 : i32
    %dma_start3A_111 = tpu.memref_slice %arg6[%dma_start3A_103, %dma_start3A_109, %dma_start3A_110] : memref<64x8x128xf32, #tpu.memory_space<vmem>> -> memref<1x8x128xf32, #tpu.memory_space<vmem>>
    %dma_start3A_112 = tpu.memref_squeeze %dma_start3A_111 : memref<1x8x128xf32, #tpu.memory_space<vmem>> -> memref<8x128xf32, #tpu.memory_space<vmem>>
    %dma_start3A_113 = tpu.memref_slice %arg2[%add3A_99, %multiple_of3A_102] : memref<2048x32000xf32, #tpu.memory_space<hbm>> -> memref<8x128xf32, #tpu.memory_space<hbm>>
    tpu.enqueue_dma source(%dma_start3A_113 : memref<8x128xf32, #tpu.memory_space<hbm>>) target(%dma_start3A_112 : memref<8x128xf32, #tpu.memory_space<vmem>>) target_semaphore(%arg8 : memref<!tpu.dma_semaphore, #tpu.memory_space<semaphore_mem>>)
    %add3A_114 = arith.constant 0 : i32
    %add3A_115 = arith.addi %mul3A_2, %add3A_114 : i32
    %slice3A_116 = vector.extract_strided_slice %and3A_5 {offsets = [7], sizes = [1], strides = [1]} : vector<16xi32> to vector<1xi32>
    %squeeze3A_117 = vector.extract %slice3A_116[0] : i32 from vector<1xi32>
    %multiple_of3A_118 = tpu.assume_multiple %squeeze3A_117, 128 : i32
    %dma_start3A_119 = arith.constant 7 : i32
    %dma_start3A_120 = arith.constant 0 : i32
    %dma_start3A_121 = arith.constant 0 : i32
    %dma_start3A_122 = tpu.memref_slice %arg6[%dma_start3A_119, %dma_start3A_120, %dma_start3A_121] : memref<64x8x128xf32, #tpu.memory_space<vmem>> -> memref<1x8x128xf32, #tpu.memory_space<vmem>>
    %dma_start3A_123 = tpu.memref_squeeze %dma_start3A_122 : memref<1x8x128xf32, #tpu.memory_space<vmem>> -> memref<8x128xf32, #tpu.memory_space<vmem>>
    %dma_start3A_124 = tpu.memref_slice %arg2[%add3A_115, %multiple_of3A_118] : memref<2048x32000xf32, #tpu.memory_space<hbm>> -> memref<8x128xf32, #tpu.memory_space<hbm>>
    %dma_start3A_125 = arith.constant 0 : i32
    %dma_start3A_126 = arith.constant 0 : i32
    %dma_start3A_127 = tpu.memref_slice %arg6[%dma_start3A_119, %dma_start3A_125, %dma_start3A_126] : memref<64x8x128xf32, #tpu.memory_space<vmem>> -> memref<1x8x128xf32, #tpu.memory_space<vmem>>
    %dma_start3A_128 = tpu.memref_squeeze %dma_start3A_127 : memref<1x8x128xf32, #tpu.memory_space<vmem>> -> memref<8x128xf32, #tpu.memory_space<vmem>>
    %dma_start3A_129 = tpu.memref_slice %arg2[%add3A_115, %multiple_of3A_118] : memref<2048x32000xf32, #tpu.memory_space<hbm>> -> memref<8x128xf32, #tpu.memory_space<hbm>>
    tpu.enqueue_dma source(%dma_start3A_129 : memref<8x128xf32, #tpu.memory_space<hbm>>) target(%dma_start3A_128 : memref<8x128xf32, #tpu.memory_space<vmem>>) target_semaphore(%arg8 : memref<!tpu.dma_semaphore, #tpu.memory_space<semaphore_mem>>)
    %add3A_130 = arith.constant 8 : i32
    %add3A_131 = arith.addi %mul3A_2, %add3A_130 : i32
    %slice3A_132 = vector.extract_strided_slice %and3A_5 {offsets = [8], sizes = [1], strides = [1]} : vector<16xi32> to vector<1xi32>
    %squeeze3A_133 = vector.extract %slice3A_132[0] : i32 from vector<1xi32>
    %multiple_of3A_134 = tpu.assume_multiple %squeeze3A_133, 128 : i32
    %dma_start3A_135 = arith.constant 8 : i32
    %dma_start3A_136 = arith.constant 0 : i32
    %dma_start3A_137 = arith.constant 0 : i32
    %dma_start3A_138 = tpu.memref_slice %arg6[%dma_start3A_135, %dma_start3A_136, %dma_start3A_137] : memref<64x8x128xf32, #tpu.memory_space<vmem>> -> memref<1x8x128xf32, #tpu.memory_space<vmem>>
    %dma_start3A_139 = tpu.memref_squeeze %dma_start3A_138 : memref<1x8x128xf32, #tpu.memory_space<vmem>> -> memref<8x128xf32, #tpu.memory_space<vmem>>
    %dma_start3A_140 = tpu.memref_slice %arg2[%add3A_131, %multiple_of3A_134] : memref<2048x32000xf32, #tpu.memory_space<hbm>> -> memref<8x128xf32, #tpu.memory_space<hbm>>
    %dma_start3A_141 = arith.constant 0 : i32
    %dma_start3A_142 = arith.constant 0 : i32
    %dma_start3A_143 = tpu.memref_slice %arg6[%dma_start3A_135, %dma_start3A_141, %dma_start3A_142] : memref<64x8x128xf32, #tpu.memory_space<vmem>> -> memref<1x8x128xf32, #tpu.memory_space<vmem>>
    %dma_start3A_144 = tpu.memref_squeeze %dma_start3A_143 : memref<1x8x128xf32, #tpu.memory_space<vmem>> -> memref<8x128xf32, #tpu.memory_space<vmem>>
    %dma_start3A_145 = tpu.memref_slice %arg2[%add3A_131, %multiple_of3A_134] : memref<2048x32000xf32, #tpu.memory_space<hbm>> -> memref<8x128xf32, #tpu.memory_space<hbm>>
    tpu.enqueue_dma source(%dma_start3A_145 : memref<8x128xf32, #tpu.memory_space<hbm>>) target(%dma_start3A_144 : memref<8x128xf32, #tpu.memory_space<vmem>>) target_semaphore(%arg8 : memref<!tpu.dma_semaphore, #tpu.memory_space<semaphore_mem>>)
    %add3A_146 = arith.constant 8 : i32
    %add3A_147 = arith.addi %mul3A_2, %add3A_146 : i32
    %slice3A_148 = vector.extract_strided_slice %and3A_5 {offsets = [9], sizes = [1], strides = [1]} : vector<16xi32> to vector<1xi32>
    %squeeze3A_149 = vector.extract %slice3A_148[0] : i32 from vector<1xi32>
    %multiple_of3A_150 = tpu.assume_multiple %squeeze3A_149, 128 : i32
    %dma_start3A_151 = arith.constant 9 : i32
    %dma_start3A_152 = arith.constant 0 : i32
    %dma_start3A_153 = arith.constant 0 : i32
    %dma_start3A_154 = tpu.memref_slice %arg6[%dma_start3A_151, %dma_start3A_152, %dma_start3A_153] : memref<64x8x128xf32, #tpu.memory_space<vmem>> -> memref<1x8x128xf32, #tpu.memory_space<vmem>>
    %dma_start3A_155 = tpu.memref_squeeze %dma_start3A_154 : memref<1x8x128xf32, #tpu.memory_space<vmem>> -> memref<8x128xf32, #tpu.memory_space<vmem>>
    %dma_start3A_156 = tpu.memref_slice %arg2[%add3A_147, %multiple_of3A_150] : memref<2048x32000xf32, #tpu.memory_space<hbm>> -> memref<8x128xf32, #tpu.memory_space<hbm>>
    %dma_start3A_157 = arith.constant 0 : i32
    %dma_start3A_158 = arith.constant 0 : i32
    %dma_start3A_159 = tpu.memref_slice %arg6[%dma_start3A_151, %dma_start3A_157, %dma_start3A_158] : memref<64x8x128xf32, #tpu.memory_space<vmem>> -> memref<1x8x128xf32, #tpu.memory_space<vmem>>
    %dma_start3A_160 = tpu.memref_squeeze %dma_start3A_159 : memref<1x8x128xf32, #tpu.memory_space<vmem>> -> memref<8x128xf32, #tpu.memory_space<vmem>>
    %dma_start3A_161 = tpu.memref_slice %arg2[%add3A_147, %multiple_of3A_150] : memref<2048x32000xf32, #tpu.memory_space<hbm>> -> memref<8x128xf32, #tpu.memory_space<hbm>>
    tpu.enqueue_dma source(%dma_start3A_161 : memref<8x128xf32, #tpu.memory_space<hbm>>) target(%dma_start3A_160 : memref<8x128xf32, #tpu.memory_space<vmem>>) target_semaphore(%arg8 : memref<!tpu.dma_semaphore, #tpu.memory_space<semaphore_mem>>)
    %add3A_162 = arith.constant 8 : i32
    %add3A_163 = arith.addi %mul3A_2, %add3A_162 : i32
    %slice3A_164 = vector.extract_strided_slice %and3A_5 {offsets = [10], sizes = [1], strides = [1]} : vector<16xi32> to vector<1xi32>
    %squeeze3A_165 = vector.extract %slice3A_164[0] : i32 from vector<1xi32>
    %multiple_of3A_166 = tpu.assume_multiple %squeeze3A_165, 128 : i32
    %dma_start3A_167 = arith.constant 10 : i32
    %dma_start3A_168 = arith.constant 0 : i32
    %dma_start3A_169 = arith.constant 0 : i32
    %dma_start3A_170 = tpu.memref_slice %arg6[%dma_start3A_167, %dma_start3A_168, %dma_start3A_169] : memref<64x8x128xf32, #tpu.memory_space<vmem>> -> memref<1x8x128xf32, #tpu.memory_space<vmem>>
    %dma_start3A_171 = tpu.memref_squeeze %dma_start3A_170 : memref<1x8x128xf32, #tpu.memory_space<vmem>> -> memref<8x128xf32, #tpu.memory_space<vmem>>
    %dma_start3A_172 = tpu.memref_slice %arg2[%add3A_163, %multiple_of3A_166] : memref<2048x32000xf32, #tpu.memory_space<hbm>> -> memref<8x128xf32, #tpu.memory_space<hbm>>
    %dma_start3A_173 = arith.constant 0 : i32
    %dma_start3A_174 = arith.constant 0 : i32
    %dma_start3A_175 = tpu.memref_slice %arg6[%dma_start3A_167, %dma_start3A_173, %dma_start3A_174] : memref<64x8x128xf32, #tpu.memory_space<vmem>> -> memref<1x8x128xf32, #tpu.memory_space<vmem>>
    %dma_start3A_176 = tpu.memref_squeeze %dma_start3A_175 : memref<1x8x128xf32, #tpu.memory_space<vmem>> -> memref<8x128xf32, #tpu.memory_space<vmem>>
    %dma_start3A_177 = tpu.memref_slice %arg2[%add3A_163, %multiple_of3A_166] : memref<2048x32000xf32, #tpu.memory_space<hbm>> -> memref<8x128xf32, #tpu.memory_space<hbm>>
    tpu.enqueue_dma source(%dma_start3A_177 : memref<8x128xf32, #tpu.memory_space<hbm>>) target(%dma_start3A_176 : memref<8x128xf32, #tpu.memory_space<vmem>>) target_semaphore(%arg8 : memref<!tpu.dma_semaphore, #tpu.memory_space<semaphore_mem>>)
    %add3A_178 = arith.constant 8 : i32
    %add3A_179 = arith.addi %mul3A_2, %add3A_178 : i32
    %slice3A_180 = vector.extract_strided_slice %and3A_5 {offsets = [11], sizes = [1], strides = [1]} : vector<16xi32> to vector<1xi32>
    %squeeze3A_181 = vector.extract %slice3A_180[0] : i32 from vector<1xi32>
    %multiple_of3A_182 = tpu.assume_multiple %squeeze3A_181, 128 : i32
    %dma_start3A_183 = arith.constant 11 : i32
    %dma_start3A_184 = arith.constant 0 : i32
    %dma_start3A_185 = arith.constant 0 : i32
    %dma_start3A_186 = tpu.memref_slice %arg6[%dma_start3A_183, %dma_start3A_184, %dma_start3A_185] : memref<64x8x128xf32, #tpu.memory_space<vmem>> -> memref<1x8x128xf32, #tpu.memory_space<vmem>>
    %dma_start3A_187 = tpu.memref_squeeze %dma_start3A_186 : memref<1x8x128xf32, #tpu.memory_space<vmem>> -> memref<8x128xf32, #tpu.memory_space<vmem>>
    %dma_start3A_188 = tpu.memref_slice %arg2[%add3A_179, %multiple_of3A_182] : memref<2048x32000xf32, #tpu.memory_space<hbm>> -> memref<8x128xf32, #tpu.memory_space<hbm>>
    %dma_start3A_189 = arith.constant 0 : i32
    %dma_start3A_190 = arith.constant 0 : i32
    %dma_start3A_191 = tpu.memref_slice %arg6[%dma_start3A_183, %dma_start3A_189, %dma_start3A_190] : memref<64x8x128xf32, #tpu.memory_space<vmem>> -> memref<1x8x128xf32, #tpu.memory_space<vmem>>
    %dma_start3A_192 = tpu.memref_squeeze %dma_start3A_191 : memref<1x8x128xf32, #tpu.memory_space<vmem>> -> memref<8x128xf32, #tpu.memory_space<vmem>>
    %dma_start3A_193 = tpu.memref_slice %arg2[%add3A_179, %multiple_of3A_182] : memref<2048x32000xf32, #tpu.memory_space<hbm>> -> memref<8x128xf32, #tpu.memory_space<hbm>>
    tpu.enqueue_dma source(%dma_start3A_193 : memref<8x128xf32, #tpu.memory_space<hbm>>) target(%dma_start3A_192 : memref<8x128xf32, #tpu.memory_space<vmem>>) target_semaphore(%arg8 : memref<!tpu.dma_semaphore, #tpu.memory_space<semaphore_mem>>)
    %add3A_194 = arith.constant 8 : i32
    %add3A_195 = arith.addi %mul3A_2, %add3A_194 : i32
    %slice3A_196 = vector.extract_strided_slice %and3A_5 {offsets = [12], sizes = [1], strides = [1]} : vector<16xi32> to vector<1xi32>
    %squeeze3A_197 = vector.extract %slice3A_196[0] : i32 from vector<1xi32>
    %multiple_of3A_198 = tpu.assume_multiple %squeeze3A_197, 128 : i32
    %dma_start3A_199 = arith.constant 12 : i32
    %dma_start3A_200 = arith.constant 0 : i32
    %dma_start3A_201 = arith.constant 0 : i32
    %dma_start3A_202 = tpu.memref_slice %arg6[%dma_start3A_199, %dma_start3A_200, %dma_start3A_201] : memref<64x8x128xf32, #tpu.memory_space<vmem>> -> memref<1x8x128xf32, #tpu.memory_space<vmem>>
    %dma_start3A_203 = tpu.memref_squeeze %dma_start3A_202 : memref<1x8x128xf32, #tpu.memory_space<vmem>> -> memref<8x128xf32, #tpu.memory_space<vmem>>
    %dma_start3A_204 = tpu.memref_slice %arg2[%add3A_195, %multiple_of3A_198] : memref<2048x32000xf32, #tpu.memory_space<hbm>> -> memref<8x128xf32, #tpu.memory_space<hbm>>
    %dma_start3A_205 = arith.constant 0 : i32
    %dma_start3A_206 = arith.constant 0 : i32
    %dma_start3A_207 = tpu.memref_slice %arg6[%dma_start3A_199, %dma_start3A_205, %dma_start3A_206] : memref<64x8x128xf32, #tpu.memory_space<vmem>> -> memref<1x8x128xf32, #tpu.memory_space<vmem>>
    %dma_start3A_208 = tpu.memref_squeeze %dma_start3A_207 : memref<1x8x128xf32, #tpu.memory_space<vmem>> -> memref<8x128xf32, #tpu.memory_space<vmem>>
    %dma_start3A_209 = tpu.memref_slice %arg2[%add3A_195, %multiple_of3A_198] : memref<2048x32000xf32, #tpu.memory_space<hbm>> -> memref<8x128xf32, #tpu.memory_space<hbm>>
    tpu.enqueue_dma source(%dma_start3A_209 : memref<8x128xf32, #tpu.memory_space<hbm>>) target(%dma_start3A_208 : memref<8x128xf32, #tpu.memory_space<vmem>>) target_semaphore(%arg8 : memref<!tpu.dma_semaphore, #tpu.memory_space<semaphore_mem>>)
    %add3A_210 = arith.constant 8 : i32
    %add3A_211 = arith.addi %mul3A_2, %add3A_210 : i32
    %slice3A_212 = vector.extract_strided_slice %and3A_5 {offsets = [13], sizes = [1], strides = [1]} : vector<16xi32> to vector<1xi32>
    %squeeze3A_213 = vector.extract %slice3A_212[0] : i32 from vector<1xi32>
    %multiple_of3A_214 = tpu.assume_multiple %squeeze3A_213, 128 : i32
    %dma_start3A_215 = arith.constant 13 : i32
    %dma_start3A_216 = arith.constant 0 : i32
    %dma_start3A_217 = arith.constant 0 : i32
    %dma_start3A_218 = tpu.memref_slice %arg6[%dma_start3A_215, %dma_start3A_216, %dma_start3A_217] : memref<64x8x128xf32, #tpu.memory_space<vmem>> -> memref<1x8x128xf32, #tpu.memory_space<vmem>>
    %dma_start3A_219 = tpu.memref_squeeze %dma_start3A_218 : memref<1x8x128xf32, #tpu.memory_space<vmem>> -> memref<8x128xf32, #tpu.memory_space<vmem>>
    %dma_start3A_220 = tpu.memref_slice %arg2[%add3A_211, %multiple_of3A_214] : memref<2048x32000xf32, #tpu.memory_space<hbm>> -> memref<8x128xf32, #tpu.memory_space<hbm>>
    %dma_start3A_221 = arith.constant 0 : i32
    %dma_start3A_222 = arith.constant 0 : i32
    %dma_start3A_223 = tpu.memref_slice %arg6[%dma_start3A_215, %dma_start3A_221, %dma_start3A_222] : memref<64x8x128xf32, #tpu.memory_space<vmem>> -> memref<1x8x128xf32, #tpu.memory_space<vmem>>
    %dma_start3A_224 = tpu.memref_squeeze %dma_start3A_223 : memref<1x8x128xf32, #tpu.memory_space<vmem>> -> memref<8x128xf32, #tpu.memory_space<vmem>>
    %dma_start3A_225 = tpu.memref_slice %arg2[%add3A_211, %multiple_of3A_214] : memref<2048x32000xf32, #tpu.memory_space<hbm>> -> memref<8x128xf32, #tpu.memory_space<hbm>>
    tpu.enqueue_dma source(%dma_start3A_225 : memref<8x128xf32, #tpu.memory_space<hbm>>) target(%dma_start3A_224 : memref<8x128xf32, #tpu.memory_space<vmem>>) target_semaphore(%arg8 : memref<!tpu.dma_semaphore, #tpu.memory_space<semaphore_mem>>)
    %add3A_226 = arith.constant 8 : i32
    %add3A_227 = arith.addi %mul3A_2, %add3A_226 : i32
    %slice3A_228 = vector.extract_strided_slice %and3A_5 {offsets = [14], sizes = [1], strides = [1]} : vector<16xi32> to vector<1xi32>
    %squeeze3A_229 = vector.extract %slice3A_228[0] : i32 from vector<1xi32>
    %multiple_of3A_230 = tpu.assume_multiple %squeeze3A_229, 128 : i32
    %dma_start3A_231 = arith.constant 14 : i32
    %dma_start3A_232 = arith.constant 0 : i32
    %dma_start3A_233 = arith.constant 0 : i32
    %dma_start3A_234 = tpu.memref_slice %arg6[%dma_start3A_231, %dma_start3A_232, %dma_start3A_233] : memref<64x8x128xf32, #tpu.memory_space<vmem>> -> memref<1x8x128xf32, #tpu.memory_space<vmem>>
    %dma_start3A_235 = tpu.memref_squeeze %dma_start3A_234 : memref<1x8x128xf32, #tpu.memory_space<vmem>> -> memref<8x128xf32, #tpu.memory_space<vmem>>
    %dma_start3A_236 = tpu.memref_slice %arg2[%add3A_227, %multiple_of3A_230] : memref<2048x32000xf32, #tpu.memory_space<hbm>> -> memref<8x128xf32, #tpu.memory_space<hbm>>
    %dma_start3A_237 = arith.constant 0 : i32
    %dma_start3A_238 = arith.constant 0 : i32
    %dma_start3A_239 = tpu.memref_slice %arg6[%dma_start3A_231, %dma_start3A_237, %dma_start3A_238] : memref<64x8x128xf32, #tpu.memory_space<vmem>> -> memref<1x8x128xf32, #tpu.memory_space<vmem>>
    %dma_start3A_240 = tpu.memref_squeeze %dma_start3A_239 : memref<1x8x128xf32, #tpu.memory_space<vmem>> -> memref<8x128xf32, #tpu.memory_space<vmem>>
    %dma_start3A_241 = tpu.memref_slice %arg2[%add3A_227, %multiple_of3A_230] : memref<2048x32000xf32, #tpu.memory_space<hbm>> -> memref<8x128xf32, #tpu.memory_space<hbm>>
    tpu.enqueue_dma source(%dma_start3A_241 : memref<8x128xf32, #tpu.memory_space<hbm>>) target(%dma_start3A_240 : memref<8x128xf32, #tpu.memory_space<vmem>>) target_semaphore(%arg8 : memref<!tpu.dma_semaphore, #tpu.memory_space<semaphore_mem>>)
    %add3A_242 = arith.constant 8 : i32
    %add3A_243 = arith.addi %mul3A_2, %add3A_242 : i32
    %slice3A_244 = vector.extract_strided_slice %and3A_5 {offsets = [15], sizes = [1], strides = [1]} : vector<16xi32> to vector<1xi32>
    %squeeze3A_245 = vector.extract %slice3A_244[0] : i32 from vector<1xi32>
    %multiple_of3A_246 = tpu.assume_multiple %squeeze3A_245, 128 : i32
    %dma_start3A_247 = arith.constant 15 : i32
    %dma_start3A_248 = arith.constant 0 : i32
    %dma_start3A_249 = arith.constant 0 : i32
    %dma_start3A_250 = tpu.memref_slice %arg6[%dma_start3A_247, %dma_start3A_248, %dma_start3A_249] : memref<64x8x128xf32, #tpu.memory_space<vmem>> -> memref<1x8x128xf32, #tpu.memory_space<vmem>>
    %dma_start3A_251 = tpu.memref_squeeze %dma_start3A_250 : memref<1x8x128xf32, #tpu.memory_space<vmem>> -> memref<8x128xf32, #tpu.memory_space<vmem>>
    %dma_start3A_252 = tpu.memref_slice %arg2[%add3A_243, %multiple_of3A_246] : memref<2048x32000xf32, #tpu.memory_space<hbm>> -> memref<8x128xf32, #tpu.memory_space<hbm>>
    %dma_start3A_253 = arith.constant 0 : i32
    %dma_start3A_254 = arith.constant 0 : i32
    %dma_start3A_255 = tpu.memref_slice %arg6[%dma_start3A_247, %dma_start3A_253, %dma_start3A_254] : memref<64x8x128xf32, #tpu.memory_space<vmem>> -> memref<1x8x128xf32, #tpu.memory_space<vmem>>
    %dma_start3A_256 = tpu.memref_squeeze %dma_start3A_255 : memref<1x8x128xf32, #tpu.memory_space<vmem>> -> memref<8x128xf32, #tpu.memory_space<vmem>>
    %dma_start3A_257 = tpu.memref_slice %arg2[%add3A_243, %multiple_of3A_246] : memref<2048x32000xf32, #tpu.memory_space<hbm>> -> memref<8x128xf32, #tpu.memory_space<hbm>>
    tpu.enqueue_dma source(%dma_start3A_257 : memref<8x128xf32, #tpu.memory_space<hbm>>) target(%dma_start3A_256 : memref<8x128xf32, #tpu.memory_space<vmem>>) target_semaphore(%arg8 : memref<!tpu.dma_semaphore, #tpu.memory_space<semaphore_mem>>)
    %get3A_258 = arith.constant 16 : index
    %get3A_259 = tpu.vector_load %arg5[%get3A_258] {strides = array<i32>} : memref<64xi32, #tpu.memory_space<vmem>>, vector<16xi32>,
    %and3A_260 = arith.constant -128 : i32
    %and3A_261 = vector.broadcast %and3A_260 : i32 to vector<16xi32>
    %and3A_262 = arith.andi %get3A_259, %and3A_261 : vector<16xi32>
    %add3A_263 = arith.constant 16 : i32
    %add3A_264 = arith.addi %mul3A_2, %add3A_263 : i32
    %slice3A_265 = vector.extract_strided_slice %and3A_262 {offsets = [0], sizes = [1], strides = [1]} : vector<16xi32> to vector<1xi32>
    %squeeze3A_266 = vector.extract %slice3A_265[0] : i32 from vector<1xi32>
    %multiple_of3A_267 = tpu.assume_multiple %squeeze3A_266, 128 : i32
    %dma_start3A_268 = arith.constant 16 : i32
    %dma_start3A_269 = arith.constant 0 : i32
    %dma_start3A_270 = arith.constant 0 : i32
    %dma_start3A_271 = tpu.memref_slice %arg6[%dma_start3A_268, %dma_start3A_269, %dma_start3A_270] : memref<64x8x128xf32, #tpu.memory_space<vmem>> -> memref<1x8x128xf32, #tpu.memory_space<vmem>>
    %dma_start3A_272 = tpu.memref_squeeze %dma_start3A_271 : memref<1x8x128xf32, #tpu.memory_space<vmem>> -> memref<8x128xf32, #tpu.memory_space<vmem>>
    %dma_start3A_273 = tpu.memref_slice %arg2[%add3A_264, %multiple_of3A_267] : memref<2048x32000xf32, #tpu.memory_space<hbm>> -> memref<8x128xf32, #tpu.memory_space<hbm>>
    %dma_start3A_274 = arith.constant 0 : i32
    %dma_start3A_275 = arith.constant 0 : i32
    %dma_start3A_276 = tpu.memref_slice %arg6[%dma_start3A_268, %dma_start3A_274, %dma_start3A_275] : memref<64x8x128xf32, #tpu.memory_space<vmem>> -> memref<1x8x128xf32, #tpu.memory_space<vmem>>
    %dma_start3A_277 = tpu.memref_squeeze %dma_start3A_276 : memref<1x8x128xf32, #tpu.memory_space<vmem>> -> memref<8x128xf32, #tpu.memory_space<vmem>>
    %dma_start3A_278 = tpu.memref_slice %arg2[%add3A_264, %multiple_of3A_267] : memref<2048x32000xf32, #tpu.memory_space<hbm>> -> memref<8x128xf32, #tpu.memory_space<hbm>>
    tpu.enqueue_dma source(%dma_start3A_278 : memref<8x128xf32, #tpu.memory_space<hbm>>) target(%dma_start3A_277 : memref<8x128xf32, #tpu.memory_space<vmem>>) target_semaphore(%arg8 : memref<!tpu.dma_semaphore, #tpu.memory_space<semaphore_mem>>)
    %add3A_279 = arith.constant 16 : i32
    %add3A_280 = arith.addi %mul3A_2, %add3A_279 : i32
    %slice3A_281 = vector.extract_strided_slice %and3A_262 {offsets = [1], sizes = [1], strides = [1]} : vector<16xi32> to vector<1xi32>
    %squeeze3A_282 = vector.extract %slice3A_281[0] : i32 from vector<1xi32>
    %multiple_of3A_283 = tpu.assume_multiple %squeeze3A_282, 128 : i32
    %dma_start3A_284 = arith.constant 17 : i32
    %dma_start3A_285 = arith.constant 0 : i32
    %dma_start3A_286 = arith.constant 0 : i32
    %dma_start3A_287 = tpu.memref_slice %arg6[%dma_start3A_284, %dma_start3A_285, %dma_start3A_286] : memref<64x8x128xf32, #tpu.memory_space<vmem>> -> memref<1x8x128xf32, #tpu.memory_space<vmem>>
    %dma_start3A_288 = tpu.memref_squeeze %dma_start3A_287 : memref<1x8x128xf32, #tpu.memory_space<vmem>> -> memref<8x128xf32, #tpu.memory_space<vmem>>
    %dma_start3A_289 = tpu.memref_slice %arg2[%add3A_280, %multiple_of3A_283] : memref<2048x32000xf32, #tpu.memory_space<hbm>> -> memref<8x128xf32, #tpu.memory_space<hbm>>
    %dma_start3A_290 = arith.constant 0 : i32
    %dma_start3A_291 = arith.constant 0 : i32
    %dma_start3A_292 = tpu.memref_slice %arg6[%dma_start3A_284, %dma_start3A_290, %dma_start3A_291] : memref<64x8x128xf32, #tpu.memory_space<vmem>> -> memref<1x8x128xf32, #tpu.memory_space<vmem>>
    %dma_start3A_293 = tpu.memref_squeeze %dma_start3A_292 : memref<1x8x128xf32, #tpu.memory_space<vmem>> -> memref<8x128xf32, #tpu.memory_space<vmem>>
    %dma_start3A_294 = tpu.memref_slice %arg2[%add3A_280, %multiple_of3A_283] : memref<2048x32000xf32, #tpu.memory_space<hbm>> -> memref<8x128xf32, #tpu.memory_space<hbm>>
    tpu.enqueue_dma source(%dma_start3A_294 : memref<8x128xf32, #tpu.memory_space<hbm>>) target(%dma_start3A_293 : memref<8x128xf32, #tpu.memory_space<vmem>>) target_semaphore(%arg8 : memref<!tpu.dma_semaphore, #tpu.memory_space<semaphore_mem>>)
    %add3A_295 = arith.constant 16 : i32
    %add3A_296 = arith.addi %mul3A_2, %add3A_295 : i32
    %slice3A_297 = vector.extract_strided_slice %and3A_262 {offsets = [2], sizes = [1], strides = [1]} : vector<16xi32> to vector<1xi32>
    %squeeze3A_298 = vector.extract %slice3A_297[0] : i32 from vector<1xi32>
    %multiple_of3A_299 = tpu.assume_multiple %squeeze3A_298, 128 : i32
    %dma_start3A_300 = arith.constant 18 : i32
    %dma_start3A_301 = arith.constant 0 : i32
    %dma_start3A_302 = arith.constant 0 : i32
    %dma_start3A_303 = tpu.memref_slice %arg6[%dma_start3A_300, %dma_start3A_301, %dma_start3A_302] : memref<64x8x128xf32, #tpu.memory_space<vmem>> -> memref<1x8x128xf32, #tpu.memory_space<vmem>>
    %dma_start3A_304 = tpu.memref_squeeze %dma_start3A_303 : memref<1x8x128xf32, #tpu.memory_space<vmem>> -> memref<8x128xf32, #tpu.memory_space<vmem>>
    %dma_start3A_305 = tpu.memref_slice %arg2[%add3A_296, %multiple_of3A_299] : memref<2048x32000xf32, #tpu.memory_space<hbm>> -> memref<8x128xf32, #tpu.memory_space<hbm>>
    %dma_start3A_306 = arith.constant 0 : i32
    %dma_start3A_307 = arith.constant 0 : i32
    %dma_start3A_308 = tpu.memref_slice %arg6[%dma_start3A_300, %dma_start3A_306, %dma_start3A_307] : memref<64x8x128xf32, #tpu.memory_space<vmem>> -> memref<1x8x128xf32, #tpu.memory_space<vmem>>
    %dma_start3A_309 = tpu.memref_squeeze %dma_start3A_308 : memref<1x8x128xf32, #tpu.memory_space<vmem>> -> memref<8x128xf32, #tpu.memory_space<vmem>>
    %dma_start3A_310 = tpu.memref_slice %arg2[%add3A_296, %multiple_of3A_299] : memref<2048x32000xf32, #tpu.memory_space<hbm>> -> memref<8x128xf32, #tpu.memory_space<hbm>>
    tpu.enqueue_dma source(%dma_start3A_310 : memref<8x128xf32, #tpu.memory_space<hbm>>) target(%dma_start3A_309 : memref<8x128xf32, #tpu.memory_space<vmem>>) target_semaphore(%arg8 : memref<!tpu.dma_semaphore, #tpu.memory_space<semaphore_mem>>)
    %add3A_311 = arith.constant 16 : i32
    %add3A_312 = arith.addi %mul3A_2, %add3A_311 : i32
    %slice3A_313 = vector.extract_strided_slice %and3A_262 {offsets = [3], sizes = [1], strides = [1]} : vector<16xi32> to vector<1xi32>
    %squeeze3A_314 = vector.extract %slice3A_313[0] : i32 from vector<1xi32>
    %multiple_of3A_315 = tpu.assume_multiple %squeeze3A_314, 128 : i32
    %dma_start3A_316 = arith.constant 19 : i32
    %dma_start3A_317 = arith.constant 0 : i32
    %dma_start3A_318 = arith.constant 0 : i32
    %dma_start3A_319 = tpu.memref_slice %arg6[%dma_start3A_316, %dma_start3A_317, %dma_start3A_318] : memref<64x8x128xf32, #tpu.memory_space<vmem>> -> memref<1x8x128xf32, #tpu.memory_space<vmem>>
    %dma_start3A_320 = tpu.memref_squeeze %dma_start3A_319 : memref<1x8x128xf32, #tpu.memory_space<vmem>> -> memref<8x128xf32, #tpu.memory_space<vmem>>
    %dma_start3A_321 = tpu.memref_slice %arg2[%add3A_312, %multiple_of3A_315] : memref<2048x32000xf32, #tpu.memory_space<hbm>> -> memref<8x128xf32, #tpu.memory_space<hbm>>
    %dma_start3A_322 = arith.constant 0 : i32
    %dma_start3A_323 = arith.constant 0 : i32
    %dma_start3A_324 = tpu.memref_slice %arg6[%dma_start3A_316, %dma_start3A_322, %dma_start3A_323] : memref<64x8x128xf32, #tpu.memory_space<vmem>> -> memref<1x8x128xf32, #tpu.memory_space<vmem>>
    %dma_start3A_325 = tpu.memref_squeeze %dma_start3A_324 : memref<1x8x128xf32, #tpu.memory_space<vmem>> -> memref<8x128xf32, #tpu.memory_space<vmem>>
    %dma_start3A_326 = tpu.memref_slice %arg2[%add3A_312, %multiple_of3A_315] : memref<2048x32000xf32, #tpu.memory_space<hbm>> -> memref<8x128xf32, #tpu.memory_space<hbm>>
    tpu.enqueue_dma source(%dma_start3A_326 : memref<8x128xf32, #tpu.memory_space<hbm>>) target(%dma_start3A_325 : memref<8x128xf32, #tpu.memory_space<vmem>>) target_semaphore(%arg8 : memref<!tpu.dma_semaphore, #tpu.memory_space<semaphore_mem>>)
    %add3A_327 = arith.constant 16 : i32
    %add3A_328 = arith.addi %mul3A_2, %add3A_327 : i32
    %slice3A_329 = vector.extract_strided_slice %and3A_262 {offsets = [4], sizes = [1], strides = [1]} : vector<16xi32> to vector<1xi32>
    %squeeze3A_330 = vector.extract %slice3A_329[0] : i32 from vector<1xi32>
    %multiple_of3A_331 = tpu.assume_multiple %squeeze3A_330, 128 : i32
    %dma_start3A_332 = arith.constant 20 : i32
    %dma_start3A_333 = arith.constant 0 : i32
    %dma_start3A_334 = arith.constant 0 : i32
    %dma_start3A_335 = tpu.memref_slice %arg6[%dma_start3A_332, %dma_start3A_333, %dma_start3A_334] : memref<64x8x128xf32, #tpu.memory_space<vmem>> -> memref<1x8x128xf32, #tpu.memory_space<vmem>>
    %dma_start3A_336 = tpu.memref_squeeze %dma_start3A_335 : memref<1x8x128xf32, #tpu.memory_space<vmem>> -> memref<8x128xf32, #tpu.memory_space<vmem>>
    %dma_start3A_337 = tpu.memref_slice %arg2[%add3A_328, %multiple_of3A_331] : memref<2048x32000xf32, #tpu.memory_space<hbm>> -> memref<8x128xf32, #tpu.memory_space<hbm>>
    %dma_start3A_338 = arith.constant 0 : i32
    %dma_start3A_339 = arith.constant 0 : i32
    %dma_start3A_340 = tpu.memref_slice %arg6[%dma_start3A_332, %dma_start3A_338, %dma_start3A_339] : memref<64x8x128xf32, #tpu.memory_space<vmem>> -> memref<1x8x128xf32, #tpu.memory_space<vmem>>
    %dma_start3A_341 = tpu.memref_squeeze %dma_start3A_340 : memref<1x8x128xf32, #tpu.memory_space<vmem>> -> memref<8x128xf32, #tpu.memory_space<vmem>>
    %dma_start3A_342 = tpu.memref_slice %arg2[%add3A_328, %multiple_of3A_331] : memref<2048x32000xf32, #tpu.memory_space<hbm>> -> memref<8x128xf32, #tpu.memory_space<hbm>>
    tpu.enqueue_dma source(%dma_start3A_342 : memref<8x128xf32, #tpu.memory_space<hbm>>) target(%dma_start3A_341 : memref<8x128xf32, #tpu.memory_space<vmem>>) target_semaphore(%arg8 : memref<!tpu.dma_semaphore, #tpu.memory_space<semaphore_mem>>)
    %add3A_343 = arith.constant 16 : i32
    %add3A_344 = arith.addi %mul3A_2, %add3A_343 : i32
    %slice3A_345 = vector.extract_strided_slice %and3A_262 {offsets = [5], sizes = [1], strides = [1]} : vector<16xi32> to vector<1xi32>
    %squeeze3A_346 = vector.extract %slice3A_345[0] : i32 from vector<1xi32>
    %multiple_of3A_347 = tpu.assume_multiple %squeeze3A_346, 128 : i32
    %dma_start3A_348 = arith.constant 21 : i32
    %dma_start3A_349 = arith.constant 0 : i32
    %dma_start3A_350 = arith.constant 0 : i32
    %dma_start3A_351 = tpu.memref_slice %arg6[%dma_start3A_348, %dma_start3A_349, %dma_start3A_350] : memref<64x8x128xf32, #tpu.memory_space<vmem>> -> memref<1x8x128xf32, #tpu.memory_space<vmem>>
    %dma_start3A_352 = tpu.memref_squeeze %dma_start3A_351 : memref<1x8x128xf32, #tpu.memory_space<vmem>> -> memref<8x128xf32, #tpu.memory_space<vmem>>
    %dma_start3A_353 = tpu.memref_slice %arg2[%add3A_344, %multiple_of3A_347] : memref<2048x32000xf32, #tpu.memory_space<hbm>> -> memref<8x128xf32, #tpu.memory_space<hbm>>
    %dma_start3A_354 = arith.constant 0 : i32
    %dma_start3A_355 = arith.constant 0 : i32
    %dma_start3A_356 = tpu.memref_slice %arg6[%dma_start3A_348, %dma_start3A_354, %dma_start3A_355] : memref<64x8x128xf32, #tpu.memory_space<vmem>> -> memref<1x8x128xf32, #tpu.memory_space<vmem>>
    %dma_start3A_357 = tpu.memref_squeeze %dma_start3A_356 : memref<1x8x128xf32, #tpu.memory_space<vmem>> -> memref<8x128xf32, #tpu.memory_space<vmem>>
    %dma_start3A_358 = tpu.memref_slice %arg2[%add3A_344, %multiple_of3A_347] : memref<2048x32000xf32, #tpu.memory_space<hbm>> -> memref<8x128xf32, #tpu.memory_space<hbm>>
    tpu.enqueue_dma source(%dma_start3A_358 : memref<8x128xf32, #tpu.memory_space<hbm>>) target(%dma_start3A_357 : memref<8x128xf32, #tpu.memory_space<vmem>>) target_semaphore(%arg8 : memref<!tpu.dma_semaphore, #tpu.memory_space<semaphore_mem>>)
    %add3A_359 = arith.constant 16 : i32
    %add3A_360 = arith.addi %mul3A_2, %add3A_359 : i32
    %slice3A_361 = vector.extract_strided_slice %and3A_262 {offsets = [6], sizes = [1], strides = [1]} : vector<16xi32> to vector<1xi32>
    %squeeze3A_362 = vector.extract %slice3A_361[0] : i32 from vector<1xi32>
    %multiple_of3A_363 = tpu.assume_multiple %squeeze3A_362, 128 : i32
    %dma_start3A_364 = arith.constant 22 : i32
    %dma_start3A_365 = arith.constant 0 : i32
    %dma_start3A_366 = arith.constant 0 : i32
    %dma_start3A_367 = tpu.memref_slice %arg6[%dma_start3A_364, %dma_start3A_365, %dma_start3A_366] : memref<64x8x128xf32, #tpu.memory_space<vmem>> -> memref<1x8x128xf32, #tpu.memory_space<vmem>>
    %dma_start3A_368 = tpu.memref_squeeze %dma_start3A_367 : memref<1x8x128xf32, #tpu.memory_space<vmem>> -> memref<8x128xf32, #tpu.memory_space<vmem>>
    %dma_start3A_369 = tpu.memref_slice %arg2[%add3A_360, %multiple_of3A_363] : memref<2048x32000xf32, #tpu.memory_space<hbm>> -> memref<8x128xf32, #tpu.memory_space<hbm>>
    %dma_start3A_370 = arith.constant 0 : i32
    %dma_start3A_371 = arith.constant 0 : i32
    %dma_start3A_372 = tpu.memref_slice %arg6[%dma_start3A_364, %dma_start3A_370, %dma_start3A_371] : memref<64x8x128xf32, #tpu.memory_space<vmem>> -> memref<1x8x128xf32, #tpu.memory_space<vmem>>
    %dma_start3A_373 = tpu.memref_squeeze %dma_start3A_372 : memref<1x8x128xf32, #tpu.memory_space<vmem>> -> memref<8x128xf32, #tpu.memory_space<vmem>>
    %dma_start3A_374 = tpu.memref_slice %arg2[%add3A_360, %multiple_of3A_363] : memref<2048x32000xf32, #tpu.memory_space<hbm>> -> memref<8x128xf32, #tpu.memory_space<hbm>>
    tpu.enqueue_dma source(%dma_start3A_374 : memref<8x128xf32, #tpu.memory_space<hbm>>) target(%dma_start3A_373 : memref<8x128xf32, #tpu.memory_space<vmem>>) target_semaphore(%arg8 : memref<!tpu.dma_semaphore, #tpu.memory_space<semaphore_mem>>)
    %add3A_375 = arith.constant 16 : i32
    %add3A_376 = arith.addi %mul3A_2, %add3A_375 : i32
    %slice3A_377 = vector.extract_strided_slice %and3A_262 {offsets = [7], sizes = [1], strides = [1]} : vector<16xi32> to vector<1xi32>
    %squeeze3A_378 = vector.extract %slice3A_377[0] : i32 from vector<1xi32>
    %multiple_of3A_379 = tpu.assume_multiple %squeeze3A_378, 128 : i32
    %dma_start3A_380 = arith.constant 23 : i32
    %dma_start3A_381 = arith.constant 0 : i32
    %dma_start3A_382 = arith.constant 0 : i32
    %dma_start3A_383 = tpu.memref_slice %arg6[%dma_start3A_380, %dma_start3A_381, %dma_start3A_382] : memref<64x8x128xf32, #tpu.memory_space<vmem>> -> memref<1x8x128xf32, #tpu.memory_space<vmem>>
    %dma_start3A_384 = tpu.memref_squeeze %dma_start3A_383 : memref<1x8x128xf32, #tpu.memory_space<vmem>> -> memref<8x128xf32, #tpu.memory_space<vmem>>
    %dma_start3A_385 = tpu.memref_slice %arg2[%add3A_376, %multiple_of3A_379] : memref<2048x32000xf32, #tpu.memory_space<hbm>> -> memref<8x128xf32, #tpu.memory_space<hbm>>
    %dma_start3A_386 = arith.constant 0 : i32
    %dma_start3A_387 = arith.constant 0 : i32
    %dma_start3A_388 = tpu.memref_slice %arg6[%dma_start3A_380, %dma_start3A_386, %dma_start3A_387] : memref<64x8x128xf32, #tpu.memory_space<vmem>> -> memref<1x8x128xf32, #tpu.memory_space<vmem>>
    %dma_start3A_389 = tpu.memref_squeeze %dma_start3A_388 : memref<1x8x128xf32, #tpu.memory_space<vmem>> -> memref<8x128xf32, #tpu.memory_space<vmem>>
    %dma_start3A_390 = tpu.memref_slice %arg2[%add3A_376, %multiple_of3A_379] : memref<2048x32000xf32, #tpu.memory_space<hbm>> -> memref<8x128xf32, #tpu.memory_space<hbm>>
    tpu.enqueue_dma source(%dma_start3A_390 : memref<8x128xf32, #tpu.memory_space<hbm>>) target(%dma_start3A_389 : memref<8x128xf32, #tpu.memory_space<vmem>>) target_semaphore(%arg8 : memref<!tpu.dma_semaphore, #tpu.memory_space<semaphore_mem>>)
    %add3A_391 = arith.constant 24 : i32
    %add3A_392 = arith.addi %mul3A_2, %add3A_391 : i32
    %slice3A_393 = vector.extract_strided_slice %and3A_262 {offsets = [8], sizes = [1], strides = [1]} : vector<16xi32> to vector<1xi32>
    %squeeze3A_394 = vector.extract %slice3A_393[0] : i32 from vector<1xi32>
    %multiple_of3A_395 = tpu.assume_multiple %squeeze3A_394, 128 : i32
    %dma_start3A_396 = arith.constant 24 : i32
    %dma_start3A_397 = arith.constant 0 : i32
    %dma_start3A_398 = arith.constant 0 : i32
    %dma_start3A_399 = tpu.memref_slice %arg6[%dma_start3A_396, %dma_start3A_397, %dma_start3A_398] : memref<64x8x128xf32, #tpu.memory_space<vmem>> -> memref<1x8x128xf32, #tpu.memory_space<vmem>>
    %dma_start3A_400 = tpu.memref_squeeze %dma_start3A_399 : memref<1x8x128xf32, #tpu.memory_space<vmem>> -> memref<8x128xf32, #tpu.memory_space<vmem>>
    %dma_start3A_401 = tpu.memref_slice %arg2[%add3A_392, %multiple_of3A_395] : memref<2048x32000xf32, #tpu.memory_space<hbm>> -> memref<8x128xf32, #tpu.memory_space<hbm>>
    %dma_start3A_402 = arith.constant 0 : i32
    %dma_start3A_403 = arith.constant 0 : i32
    %dma_start3A_404 = tpu.memref_slice %arg6[%dma_start3A_396, %dma_start3A_402, %dma_start3A_403] : memref<64x8x128xf32, #tpu.memory_space<vmem>> -> memref<1x8x128xf32, #tpu.memory_space<vmem>>
    %dma_start3A_405 = tpu.memref_squeeze %dma_start3A_404 : memref<1x8x128xf32, #tpu.memory_space<vmem>> -> memref<8x128xf32, #tpu.memory_space<vmem>>
    %dma_start3A_406 = tpu.memref_slice %arg2[%add3A_392, %multiple_of3A_395] : memref<2048x32000xf32, #tpu.memory_space<hbm>> -> memref<8x128xf32, #tpu.memory_space<hbm>>
    tpu.enqueue_dma source(%dma_start3A_406 : memref<8x128xf32, #tpu.memory_space<hbm>>) target(%dma_start3A_405 : memref<8x128xf32, #tpu.memory_space<vmem>>) target_semaphore(%arg8 : memref<!tpu.dma_semaphore, #tpu.memory_space<semaphore_mem>>)
    %add3A_407 = arith.constant 24 : i32
    %add3A_408 = arith.addi %mul3A_2, %add3A_407 : i32
    %slice3A_409 = vector.extract_strided_slice %and3A_262 {offsets = [9], sizes = [1], strides = [1]} : vector<16xi32> to vector<1xi32>
    %squeeze3A_410 = vector.extract %slice3A_409[0] : i32 from vector<1xi32>
    %multiple_of3A_411 = tpu.assume_multiple %squeeze3A_410, 128 : i32
    %dma_start3A_412 = arith.constant 25 : i32
    %dma_start3A_413 = arith.constant 0 : i32
    %dma_start3A_414 = arith.constant 0 : i32
    %dma_start3A_415 = tpu.memref_slice %arg6[%dma_start3A_412, %dma_start3A_413, %dma_start3A_414] : memref<64x8x128xf32, #tpu.memory_space<vmem>> -> memref<1x8x128xf32, #tpu.memory_space<vmem>>
    %dma_start3A_416 = tpu.memref_squeeze %dma_start3A_415 : memref<1x8x128xf32, #tpu.memory_space<vmem>> -> memref<8x128xf32, #tpu.memory_space<vmem>>
    %dma_start3A_417 = tpu.memref_slice %arg2[%add3A_408, %multiple_of3A_411] : memref<2048x32000xf32, #tpu.memory_space<hbm>> -> memref<8x128xf32, #tpu.memory_space<hbm>>
    %dma_start3A_418 = arith.constant 0 : i32
    %dma_start3A_419 = arith.constant 0 : i32
    %dma_start3A_420 = tpu.memref_slice %arg6[%dma_start3A_412, %dma_start3A_418, %dma_start3A_419] : memref<64x8x128xf32, #tpu.memory_space<vmem>> -> memref<1x8x128xf32, #tpu.memory_space<vmem>>
    %dma_start3A_421 = tpu.memref_squeeze %dma_start3A_420 : memref<1x8x128xf32, #tpu.memory_space<vmem>> -> memref<8x128xf32, #tpu.memory_space<vmem>>
    %dma_start3A_422 = tpu.memref_slice %arg2[%add3A_408, %multiple_of3A_411] : memref<2048x32000xf32, #tpu.memory_space<hbm>> -> memref<8x128xf32, #tpu.memory_space<hbm>>
    tpu.enqueue_dma source(%dma_start3A_422 : memref<8x128xf32, #tpu.memory_space<hbm>>) target(%dma_start3A_421 : memref<8x128xf32, #tpu.memory_space<vmem>>) target_semaphore(%arg8 : memref<!tpu.dma_semaphore, #tpu.memory_space<semaphore_mem>>)
    %add3A_423 = arith.constant 24 : i32
    %add3A_424 = arith.addi %mul3A_2, %add3A_423 : i32
    %slice3A_425 = vector.extract_strided_slice %and3A_262 {offsets = [10], sizes = [1], strides = [1]} : vector<16xi32> to vector<1xi32>
    %squeeze3A_426 = vector.extract %slice3A_425[0] : i32 from vector<1xi32>
    %multiple_of3A_427 = tpu.assume_multiple %squeeze3A_426, 128 : i32
    %dma_start3A_428 = arith.constant 26 : i32
    %dma_start3A_429 = arith.constant 0 : i32
    %dma_start3A_430 = arith.constant 0 : i32
    %dma_start3A_431 = tpu.memref_slice %arg6[%dma_start3A_428, %dma_start3A_429, %dma_start3A_430] : memref<64x8x128xf32, #tpu.memory_space<vmem>> -> memref<1x8x128xf32, #tpu.memory_space<vmem>>
    %dma_start3A_432 = tpu.memref_squeeze %dma_start3A_431 : memref<1x8x128xf32, #tpu.memory_space<vmem>> -> memref<8x128xf32, #tpu.memory_space<vmem>>
    %dma_start3A_433 = tpu.memref_slice %arg2[%add3A_424, %multiple_of3A_427] : memref<2048x32000xf32, #tpu.memory_space<hbm>> -> memref<8x128xf32, #tpu.memory_space<hbm>>
    %dma_start3A_434 = arith.constant 0 : i32
    %dma_start3A_435 = arith.constant 0 : i32
    %dma_start3A_436 = tpu.memref_slice %arg6[%dma_start3A_428, %dma_start3A_434, %dma_start3A_435] : memref<64x8x128xf32, #tpu.memory_space<vmem>> -> memref<1x8x128xf32, #tpu.memory_space<vmem>>
    %dma_start3A_437 = tpu.memref_squeeze %dma_start3A_436 : memref<1x8x128xf32, #tpu.memory_space<vmem>> -> memref<8x128xf32, #tpu.memory_space<vmem>>
    %dma_start3A_438 = tpu.memref_slice %arg2[%add3A_424, %multiple_of3A_427] : memref<2048x32000xf32, #tpu.memory_space<hbm>> -> memref<8x128xf32, #tpu.memory_space<hbm>>
    tpu.enqueue_dma source(%dma_start3A_438 : memref<8x128xf32, #tpu.memory_space<hbm>>) target(%dma_start3A_437 : memref<8x128xf32, #tpu.memory_space<vmem>>) target_semaphore(%arg8 : memref<!tpu.dma_semaphore, #tpu.memory_space<semaphore_mem>>)
    %add3A_439 = arith.constant 24 : i32
    %add3A_440 = arith.addi %mul3A_2, %add3A_439 : i32
    %slice3A_441 = vector.extract_strided_slice %and3A_262 {offsets = [11], sizes = [1], strides = [1]} : vector<16xi32> to vector<1xi32>
    %squeeze3A_442 = vector.extract %slice3A_441[0] : i32 from vector<1xi32>
    %multiple_of3A_443 = tpu.assume_multiple %squeeze3A_442, 128 : i32
    %dma_start3A_444 = arith.constant 27 : i32
    %dma_start3A_445 = arith.constant 0 : i32
    %dma_start3A_446 = arith.constant 0 : i32
    %dma_start3A_447 = tpu.memref_slice %arg6[%dma_start3A_444, %dma_start3A_445, %dma_start3A_446] : memref<64x8x128xf32, #tpu.memory_space<vmem>> -> memref<1x8x128xf32, #tpu.memory_space<vmem>>
    %dma_start3A_448 = tpu.memref_squeeze %dma_start3A_447 : memref<1x8x128xf32, #tpu.memory_space<vmem>> -> memref<8x128xf32, #tpu.memory_space<vmem>>
    %dma_start3A_449 = tpu.memref_slice %arg2[%add3A_440, %multiple_of3A_443] : memref<2048x32000xf32, #tpu.memory_space<hbm>> -> memref<8x128xf32, #tpu.memory_space<hbm>>
    %dma_start3A_450 = arith.constant 0 : i32
    %dma_start3A_451 = arith.constant 0 : i32
    %dma_start3A_452 = tpu.memref_slice %arg6[%dma_start3A_444, %dma_start3A_450, %dma_start3A_451] : memref<64x8x128xf32, #tpu.memory_space<vmem>> -> memref<1x8x128xf32, #tpu.memory_space<vmem>>
    %dma_start3A_453 = tpu.memref_squeeze %dma_start3A_452 : memref<1x8x128xf32, #tpu.memory_space<vmem>> -> memref<8x128xf32, #tpu.memory_space<vmem>>
    %dma_start3A_454 = tpu.memref_slice %arg2[%add3A_440, %multiple_of3A_443] : memref<2048x32000xf32, #tpu.memory_space<hbm>> -> memref<8x128xf32, #tpu.memory_space<hbm>>
    tpu.enqueue_dma source(%dma_start3A_454 : memref<8x128xf32, #tpu.memory_space<hbm>>) target(%dma_start3A_453 : memref<8x128xf32, #tpu.memory_space<vmem>>) target_semaphore(%arg8 : memref<!tpu.dma_semaphore, #tpu.memory_space<semaphore_mem>>)
    %add3A_455 = arith.constant 24 : i32
    %add3A_456 = arith.addi %mul3A_2, %add3A_455 : i32
    %slice3A_457 = vector.extract_strided_slice %and3A_262 {offsets = [12], sizes = [1], strides = [1]} : vector<16xi32> to vector<1xi32>
    %squeeze3A_458 = vector.extract %slice3A_457[0] : i32 from vector<1xi32>
    %multiple_of3A_459 = tpu.assume_multiple %squeeze3A_458, 128 : i32
    %dma_start3A_460 = arith.constant 28 : i32
    %dma_start3A_461 = arith.constant 0 : i32
    %dma_start3A_462 = arith.constant 0 : i32
    %dma_start3A_463 = tpu.memref_slice %arg6[%dma_start3A_460, %dma_start3A_461, %dma_start3A_462] : memref<64x8x128xf32, #tpu.memory_space<vmem>> -> memref<1x8x128xf32, #tpu.memory_space<vmem>>
    %dma_start3A_464 = tpu.memref_squeeze %dma_start3A_463 : memref<1x8x128xf32, #tpu.memory_space<vmem>> -> memref<8x128xf32, #tpu.memory_space<vmem>>
    %dma_start3A_465 = tpu.memref_slice %arg2[%add3A_456, %multiple_of3A_459] : memref<2048x32000xf32, #tpu.memory_space<hbm>> -> memref<8x128xf32, #tpu.memory_space<hbm>>
    %dma_start3A_466 = arith.constant 0 : i32
    %dma_start3A_467 = arith.constant 0 : i32
    %dma_start3A_468 = tpu.memref_slice %arg6[%dma_start3A_460, %dma_start3A_466, %dma_start3A_467] : memref<64x8x128xf32, #tpu.memory_space<vmem>> -> memref<1x8x128xf32, #tpu.memory_space<vmem>>
    %dma_start3A_469 = tpu.memref_squeeze %dma_start3A_468 : memref<1x8x128xf32, #tpu.memory_space<vmem>> -> memref<8x128xf32, #tpu.memory_space<vmem>>
    %dma_start3A_470 = tpu.memref_slice %arg2[%add3A_456, %multiple_of3A_459] : memref<2048x32000xf32, #tpu.memory_space<hbm>> -> memref<8x128xf32, #tpu.memory_space<hbm>>
    tpu.enqueue_dma source(%dma_start3A_470 : memref<8x128xf32, #tpu.memory_space<hbm>>) target(%dma_start3A_469 : memref<8x128xf32, #tpu.memory_space<vmem>>) target_semaphore(%arg8 : memref<!tpu.dma_semaphore, #tpu.memory_space<semaphore_mem>>)
    %add3A_471 = arith.constant 24 : i32
    %add3A_472 = arith.addi %mul3A_2, %add3A_471 : i32
    %slice3A_473 = vector.extract_strided_slice %and3A_262 {offsets = [13], sizes = [1], strides = [1]} : vector<16xi32> to vector<1xi32>
    %squeeze3A_474 = vector.extract %slice3A_473[0] : i32 from vector<1xi32>
    %multiple_of3A_475 = tpu.assume_multiple %squeeze3A_474, 128 : i32
    %dma_start3A_476 = arith.constant 29 : i32
    %dma_start3A_477 = arith.constant 0 : i32
    %dma_start3A_478 = arith.constant 0 : i32
    %dma_start3A_479 = tpu.memref_slice %arg6[%dma_start3A_476, %dma_start3A_477, %dma_start3A_478] : memref<64x8x128xf32, #tpu.memory_space<vmem>> -> memref<1x8x128xf32, #tpu.memory_space<vmem>>
    %dma_start3A_480 = tpu.memref_squeeze %dma_start3A_479 : memref<1x8x128xf32, #tpu.memory_space<vmem>> -> memref<8x128xf32, #tpu.memory_space<vmem>>
    %dma_start3A_481 = tpu.memref_slice %arg2[%add3A_472, %multiple_of3A_475] : memref<2048x32000xf32, #tpu.memory_space<hbm>> -> memref<8x128xf32, #tpu.memory_space<hbm>>
    %dma_start3A_482 = arith.constant 0 : i32
    %dma_start3A_483 = arith.constant 0 : i32
    %dma_start3A_484 = tpu.memref_slice %arg6[%dma_start3A_476, %dma_start3A_482, %dma_start3A_483] : memref<64x8x128xf32, #tpu.memory_space<vmem>> -> memref<1x8x128xf32, #tpu.memory_space<vmem>>
    %dma_start3A_485 = tpu.memref_squeeze %dma_start3A_484 : memref<1x8x128xf32, #tpu.memory_space<vmem>> -> memref<8x128xf32, #tpu.memory_space<vmem>>
    %dma_start3A_486 = tpu.memref_slice %arg2[%add3A_472, %multiple_of3A_475] : memref<2048x32000xf32, #tpu.memory_space<hbm>> -> memref<8x128xf32, #tpu.memory_space<hbm>>
    tpu.enqueue_dma source(%dma_start3A_486 : memref<8x128xf32, #tpu.memory_space<hbm>>) target(%dma_start3A_485 : memref<8x128xf32, #tpu.memory_space<vmem>>) target_semaphore(%arg8 : memref<!tpu.dma_semaphore, #tpu.memory_space<semaphore_mem>>)
    %add3A_487 = arith.constant 24 : i32
    %add3A_488 = arith.addi %mul3A_2, %add3A_487 : i32
    %slice3A_489 = vector.extract_strided_slice %and3A_262 {offsets = [14], sizes = [1], strides = [1]} : vector<16xi32> to vector<1xi32>
    %squeeze3A_490 = vector.extract %slice3A_489[0] : i32 from vector<1xi32>
    %multiple_of3A_491 = tpu.assume_multiple %squeeze3A_490, 128 : i32
    %dma_start3A_492 = arith.constant 30 : i32
    %dma_start3A_493 = arith.constant 0 : i32
    %dma_start3A_494 = arith.constant 0 : i32
    %dma_start3A_495 = tpu.memref_slice %arg6[%dma_start3A_492, %dma_start3A_493, %dma_start3A_494] : memref<64x8x128xf32, #tpu.memory_space<vmem>> -> memref<1x8x128xf32, #tpu.memory_space<vmem>>
    %dma_start3A_496 = tpu.memref_squeeze %dma_start3A_495 : memref<1x8x128xf32, #tpu.memory_space<vmem>> -> memref<8x128xf32, #tpu.memory_space<vmem>>
    %dma_start3A_497 = tpu.memref_slice %arg2[%add3A_488, %multiple_of3A_491] : memref<2048x32000xf32, #tpu.memory_space<hbm>> -> memref<8x128xf32, #tpu.memory_space<hbm>>
    %dma_start3A_498 = arith.constant 0 : i32
    %dma_start3A_499 = arith.constant 0 : i32
    %dma_start3A_500 = tpu.memref_slice %arg6[%dma_start3A_492, %dma_start3A_498, %dma_start3A_499] : memref<64x8x128xf32, #tpu.memory_space<vmem>> -> memref<1x8x128xf32, #tpu.memory_space<vmem>>
    %dma_start3A_501 = tpu.memref_squeeze %dma_start3A_500 : memref<1x8x128xf32, #tpu.memory_space<vmem>> -> memref<8x128xf32, #tpu.memory_space<vmem>>
    %dma_start3A_502 = tpu.memref_slice %arg2[%add3A_488, %multiple_of3A_491] : memref<2048x32000xf32, #tpu.memory_space<hbm>> -> memref<8x128xf32, #tpu.memory_space<hbm>>
    tpu.enqueue_dma source(%dma_start3A_502 : memref<8x128xf32, #tpu.memory_space<hbm>>) target(%dma_start3A_501 : memref<8x128xf32, #tpu.memory_space<vmem>>) target_semaphore(%arg8 : memref<!tpu.dma_semaphore, #tpu.memory_space<semaphore_mem>>)
    %add3A_503 = arith.constant 24 : i32
    %add3A_504 = arith.addi %mul3A_2, %add3A_503 : i32
    %slice3A_505 = vector.extract_strided_slice %and3A_262 {offsets = [15], sizes = [1], strides = [1]} : vector<16xi32> to vector<1xi32>
    %squeeze3A_506 = vector.extract %slice3A_505[0] : i32 from vector<1xi32>
    %multiple_of3A_507 = tpu.assume_multiple %squeeze3A_506, 128 : i32
    %dma_start3A_508 = arith.constant 31 : i32
    %dma_start3A_509 = arith.constant 0 : i32
    %dma_start3A_510 = arith.constant 0 : i32
    %dma_start3A_511 = tpu.memref_slice %arg6[%dma_start3A_508, %dma_start3A_509, %dma_start3A_510] : memref<64x8x128xf32, #tpu.memory_space<vmem>> -> memref<1x8x128xf32, #tpu.memory_space<vmem>>
    %dma_start3A_512 = tpu.memref_squeeze %dma_start3A_511 : memref<1x8x128xf32, #tpu.memory_space<vmem>> -> memref<8x128xf32, #tpu.memory_space<vmem>>
    %dma_start3A_513 = tpu.memref_slice %arg2[%add3A_504, %multiple_of3A_507] : memref<2048x32000xf32, #tpu.memory_space<hbm>> -> memref<8x128xf32, #tpu.memory_space<hbm>>
    %dma_start3A_514 = arith.constant 0 : i32
    %dma_start3A_515 = arith.constant 0 : i32
    %dma_start3A_516 = tpu.memref_slice %arg6[%dma_start3A_508, %dma_start3A_514, %dma_start3A_515] : memref<64x8x128xf32, #tpu.memory_space<vmem>> -> memref<1x8x128xf32, #tpu.memory_space<vmem>>
    %dma_start3A_517 = tpu.memref_squeeze %dma_start3A_516 : memref<1x8x128xf32, #tpu.memory_space<vmem>> -> memref<8x128xf32, #tpu.memory_space<vmem>>
    %dma_start3A_518 = tpu.memref_slice %arg2[%add3A_504, %multiple_of3A_507] : memref<2048x32000xf32, #tpu.memory_space<hbm>> -> memref<8x128xf32, #tpu.memory_space<hbm>>
    tpu.enqueue_dma source(%dma_start3A_518 : memref<8x128xf32, #tpu.memory_space<hbm>>) target(%dma_start3A_517 : memref<8x128xf32, #tpu.memory_space<vmem>>) target_semaphore(%arg8 : memref<!tpu.dma_semaphore, #tpu.memory_space<semaphore_mem>>)
    %get3A_519 = arith.constant 32 : index
    %get3A_520 = tpu.vector_load %arg5[%get3A_519] {strides = array<i32>} : memref<64xi32, #tpu.memory_space<vmem>>, vector<16xi32>,
    %and3A_521 = arith.constant -128 : i32
    %and3A_522 = vector.broadcast %and3A_521 : i32 to vector<16xi32>
    %and3A_523 = arith.andi %get3A_520, %and3A_522 : vector<16xi32>
    %add3A_524 = arith.constant 32 : i32
    %add3A_525 = arith.addi %mul3A_2, %add3A_524 : i32
    %slice3A_526 = vector.extract_strided_slice %and3A_523 {offsets = [0], sizes = [1], strides = [1]} : vector<16xi32> to vector<1xi32>
    %squeeze3A_527 = vector.extract %slice3A_526[0] : i32 from vector<1xi32>
    %multiple_of3A_528 = tpu.assume_multiple %squeeze3A_527, 128 : i32
    %dma_start3A_529 = arith.constant 32 : i32
    %dma_start3A_530 = arith.constant 0 : i32
    %dma_start3A_531 = arith.constant 0 : i32
    %dma_start3A_532 = tpu.memref_slice %arg6[%dma_start3A_529, %dma_start3A_530, %dma_start3A_531] : memref<64x8x128xf32, #tpu.memory_space<vmem>> -> memref<1x8x128xf32, #tpu.memory_space<vmem>>
    %dma_start3A_533 = tpu.memref_squeeze %dma_start3A_532 : memref<1x8x128xf32, #tpu.memory_space<vmem>> -> memref<8x128xf32, #tpu.memory_space<vmem>>
    %dma_start3A_534 = tpu.memref_slice %arg2[%add3A_525, %multiple_of3A_528] : memref<2048x32000xf32, #tpu.memory_space<hbm>> -> memref<8x128xf32, #tpu.memory_space<hbm>>
    %dma_start3A_535 = arith.constant 0 : i32
    %dma_start3A_536 = arith.constant 0 : i32
    %dma_start3A_537 = tpu.memref_slice %arg6[%dma_start3A_529, %dma_start3A_535, %dma_start3A_536] : memref<64x8x128xf32, #tpu.memory_space<vmem>> -> memref<1x8x128xf32, #tpu.memory_space<vmem>>
    %dma_start3A_538 = tpu.memref_squeeze %dma_start3A_537 : memref<1x8x128xf32, #tpu.memory_space<vmem>> -> memref<8x128xf32, #tpu.memory_space<vmem>>
    %dma_start3A_539 = tpu.memref_slice %arg2[%add3A_525, %multiple_of3A_528] : memref<2048x32000xf32, #tpu.memory_space<hbm>> -> memref<8x128xf32, #tpu.memory_space<hbm>>
    tpu.enqueue_dma source(%dma_start3A_539 : memref<8x128xf32, #tpu.memory_space<hbm>>) target(%dma_start3A_538 : memref<8x128xf32, #tpu.memory_space<vmem>>) target_semaphore(%arg8 : memref<!tpu.dma_semaphore, #tpu.memory_space<semaphore_mem>>)
    %add3A_540 = arith.constant 32 : i32
    %add3A_541 = arith.addi %mul3A_2, %add3A_540 : i32
    %slice3A_542 = vector.extract_strided_slice %and3A_523 {offsets = [1], sizes = [1], strides = [1]} : vector<16xi32> to vector<1xi32>
    %squeeze3A_543 = vector.extract %slice3A_542[0] : i32 from vector<1xi32>
    %multiple_of3A_544 = tpu.assume_multiple %squeeze3A_543, 128 : i32
    %dma_start3A_545 = arith.constant 33 : i32
    %dma_start3A_546 = arith.constant 0 : i32
    %dma_start3A_547 = arith.constant 0 : i32
    %dma_start3A_548 = tpu.memref_slice %arg6[%dma_start3A_545, %dma_start3A_546, %dma_start3A_547] : memref<64x8x128xf32, #tpu.memory_space<vmem>> -> memref<1x8x128xf32, #tpu.memory_space<vmem>>
    %dma_start3A_549 = tpu.memref_squeeze %dma_start3A_548 : memref<1x8x128xf32, #tpu.memory_space<vmem>> -> memref<8x128xf32, #tpu.memory_space<vmem>>
    %dma_start3A_550 = tpu.memref_slice %arg2[%add3A_541, %multiple_of3A_544] : memref<2048x32000xf32, #tpu.memory_space<hbm>> -> memref<8x128xf32, #tpu.memory_space<hbm>>
    %dma_start3A_551 = arith.constant 0 : i32
    %dma_start3A_552 = arith.constant 0 : i32
    %dma_start3A_553 = tpu.memref_slice %arg6[%dma_start3A_545, %dma_start3A_551, %dma_start3A_552] : memref<64x8x128xf32, #tpu.memory_space<vmem>> -> memref<1x8x128xf32, #tpu.memory_space<vmem>>
    %dma_start3A_554 = tpu.memref_squeeze %dma_start3A_553 : memref<1x8x128xf32, #tpu.memory_space<vmem>> -> memref<8x128xf32, #tpu.memory_space<vmem>>
    %dma_start3A_555 = tpu.memref_slice %arg2[%add3A_541, %multiple_of3A_544] : memref<2048x32000xf32, #tpu.memory_space<hbm>> -> memref<8x128xf32, #tpu.memory_space<hbm>>
    tpu.enqueue_dma source(%dma_start3A_555 : memref<8x128xf32, #tpu.memory_space<hbm>>) target(%dma_start3A_554 : memref<8x128xf32, #tpu.memory_space<vmem>>) target_semaphore(%arg8 : memref<!tpu.dma_semaphore, #tpu.memory_space<semaphore_mem>>)
    %add3A_556 = arith.constant 32 : i32
    %add3A_557 = arith.addi %mul3A_2, %add3A_556 : i32
    %slice3A_558 = vector.extract_strided_slice %and3A_523 {offsets = [2], sizes = [1], strides = [1]} : vector<16xi32> to vector<1xi32>
    %squeeze3A_559 = vector.extract %slice3A_558[0] : i32 from vector<1xi32>
    %multiple_of3A_560 = tpu.assume_multiple %squeeze3A_559, 128 : i32
    %dma_start3A_561 = arith.constant 34 : i32
    %dma_start3A_562 = arith.constant 0 : i32
    %dma_start3A_563 = arith.constant 0 : i32
    %dma_start3A_564 = tpu.memref_slice %arg6[%dma_start3A_561, %dma_start3A_562, %dma_start3A_563] : memref<64x8x128xf32, #tpu.memory_space<vmem>> -> memref<1x8x128xf32, #tpu.memory_space<vmem>>
    %dma_start3A_565 = tpu.memref_squeeze %dma_start3A_564 : memref<1x8x128xf32, #tpu.memory_space<vmem>> -> memref<8x128xf32, #tpu.memory_space<vmem>>
    %dma_start3A_566 = tpu.memref_slice %arg2[%add3A_557, %multiple_of3A_560] : memref<2048x32000xf32, #tpu.memory_space<hbm>> -> memref<8x128xf32, #tpu.memory_space<hbm>>
    %dma_start3A_567 = arith.constant 0 : i32
    %dma_start3A_568 = arith.constant 0 : i32
    %dma_start3A_569 = tpu.memref_slice %arg6[%dma_start3A_561, %dma_start3A_567, %dma_start3A_568] : memref<64x8x128xf32, #tpu.memory_space<vmem>> -> memref<1x8x128xf32, #tpu.memory_space<vmem>>
    %dma_start3A_570 = tpu.memref_squeeze %dma_start3A_569 : memref<1x8x128xf32, #tpu.memory_space<vmem>> -> memref<8x128xf32, #tpu.memory_space<vmem>>
    %dma_start3A_571 = tpu.memref_slice %arg2[%add3A_557, %multiple_of3A_560] : memref<2048x32000xf32, #tpu.memory_space<hbm>> -> memref<8x128xf32, #tpu.memory_space<hbm>>
    tpu.enqueue_dma source(%dma_start3A_571 : memref<8x128xf32, #tpu.memory_space<hbm>>) target(%dma_start3A_570 : memref<8x128xf32, #tpu.memory_space<vmem>>) target_semaphore(%arg8 : memref<!tpu.dma_semaphore, #tpu.memory_space<semaphore_mem>>)
    %add3A_572 = arith.constant 32 : i32
    %add3A_573 = arith.addi %mul3A_2, %add3A_572 : i32
    %slice3A_574 = vector.extract_strided_slice %and3A_523 {offsets = [3], sizes = [1], strides = [1]} : vector<16xi32> to vector<1xi32>
    %squeeze3A_575 = vector.extract %slice3A_574[0] : i32 from vector<1xi32>
    %multiple_of3A_576 = tpu.assume_multiple %squeeze3A_575, 128 : i32
    %dma_start3A_577 = arith.constant 35 : i32
    %dma_start3A_578 = arith.constant 0 : i32
    %dma_start3A_579 = arith.constant 0 : i32
    %dma_start3A_580 = tpu.memref_slice %arg6[%dma_start3A_577, %dma_start3A_578, %dma_start3A_579] : memref<64x8x128xf32, #tpu.memory_space<vmem>> -> memref<1x8x128xf32, #tpu.memory_space<vmem>>
    %dma_start3A_581 = tpu.memref_squeeze %dma_start3A_580 : memref<1x8x128xf32, #tpu.memory_space<vmem>> -> memref<8x128xf32, #tpu.memory_space<vmem>>
    %dma_start3A_582 = tpu.memref_slice %arg2[%add3A_573, %multiple_of3A_576] : memref<2048x32000xf32, #tpu.memory_space<hbm>> -> memref<8x128xf32, #tpu.memory_space<hbm>>
    %dma_start3A_583 = arith.constant 0 : i32
    %dma_start3A_584 = arith.constant 0 : i32
    %dma_start3A_585 = tpu.memref_slice %arg6[%dma_start3A_577, %dma_start3A_583, %dma_start3A_584] : memref<64x8x128xf32, #tpu.memory_space<vmem>> -> memref<1x8x128xf32, #tpu.memory_space<vmem>>
    %dma_start3A_586 = tpu.memref_squeeze %dma_start3A_585 : memref<1x8x128xf32, #tpu.memory_space<vmem>> -> memref<8x128xf32, #tpu.memory_space<vmem>>
    %dma_start3A_587 = tpu.memref_slice %arg2[%add3A_573, %multiple_of3A_576] : memref<2048x32000xf32, #tpu.memory_space<hbm>> -> memref<8x128xf32, #tpu.memory_space<hbm>>
    tpu.enqueue_dma source(%dma_start3A_587 : memref<8x128xf32, #tpu.memory_space<hbm>>) target(%dma_start3A_586 : memref<8x128xf32, #tpu.memory_space<vmem>>) target_semaphore(%arg8 : memref<!tpu.dma_semaphore, #tpu.memory_space<semaphore_mem>>)
    %add3A_588 = arith.constant 32 : i32
    %add3A_589 = arith.addi %mul3A_2, %add3A_588 : i32
    %slice3A_590 = vector.extract_strided_slice %and3A_523 {offsets = [4], sizes = [1], strides = [1]} : vector<16xi32> to vector<1xi32>
    %squeeze3A_591 = vector.extract %slice3A_590[0] : i32 from vector<1xi32>
    %multiple_of3A_592 = tpu.assume_multiple %squeeze3A_591, 128 : i32
    %dma_start3A_593 = arith.constant 36 : i32
    %dma_start3A_594 = arith.constant 0 : i32
    %dma_start3A_595 = arith.constant 0 : i32
    %dma_start3A_596 = tpu.memref_slice %arg6[%dma_start3A_593, %dma_start3A_594, %dma_start3A_595] : memref<64x8x128xf32, #tpu.memory_space<vmem>> -> memref<1x8x128xf32, #tpu.memory_space<vmem>>
    %dma_start3A_597 = tpu.memref_squeeze %dma_start3A_596 : memref<1x8x128xf32, #tpu.memory_space<vmem>> -> memref<8x128xf32, #tpu.memory_space<vmem>>
    %dma_start3A_598 = tpu.memref_slice %arg2[%add3A_589, %multiple_of3A_592] : memref<2048x32000xf32, #tpu.memory_space<hbm>> -> memref<8x128xf32, #tpu.memory_space<hbm>>
    %dma_start3A_599 = arith.constant 0 : i32
    %dma_start3A_600 = arith.constant 0 : i32
    %dma_start3A_601 = tpu.memref_slice %arg6[%dma_start3A_593, %dma_start3A_599, %dma_start3A_600] : memref<64x8x128xf32, #tpu.memory_space<vmem>> -> memref<1x8x128xf32, #tpu.memory_space<vmem>>
    %dma_start3A_602 = tpu.memref_squeeze %dma_start3A_601 : memref<1x8x128xf32, #tpu.memory_space<vmem>> -> memref<8x128xf32, #tpu.memory_space<vmem>>
    %dma_start3A_603 = tpu.memref_slice %arg2[%add3A_589, %multiple_of3A_592] : memref<2048x32000xf32, #tpu.memory_space<hbm>> -> memref<8x128xf32, #tpu.memory_space<hbm>>
    tpu.enqueue_dma source(%dma_start3A_603 : memref<8x128xf32, #tpu.memory_space<hbm>>) target(%dma_start3A_602 : memref<8x128xf32, #tpu.memory_space<vmem>>) target_semaphore(%arg8 : memref<!tpu.dma_semaphore, #tpu.memory_space<semaphore_mem>>)
    %add3A_604 = arith.constant 32 : i32
    %add3A_605 = arith.addi %mul3A_2, %add3A_604 : i32
    %slice3A_606 = vector.extract_strided_slice %and3A_523 {offsets = [5], sizes = [1], strides = [1]} : vector<16xi32> to vector<1xi32>
    %squeeze3A_607 = vector.extract %slice3A_606[0] : i32 from vector<1xi32>
    %multiple_of3A_608 = tpu.assume_multiple %squeeze3A_607, 128 : i32
    %dma_start3A_609 = arith.constant 37 : i32
    %dma_start3A_610 = arith.constant 0 : i32
    %dma_start3A_611 = arith.constant 0 : i32
    %dma_start3A_612 = tpu.memref_slice %arg6[%dma_start3A_609, %dma_start3A_610, %dma_start3A_611] : memref<64x8x128xf32, #tpu.memory_space<vmem>> -> memref<1x8x128xf32, #tpu.memory_space<vmem>>
    %dma_start3A_613 = tpu.memref_squeeze %dma_start3A_612 : memref<1x8x128xf32, #tpu.memory_space<vmem>> -> memref<8x128xf32, #tpu.memory_space<vmem>>
    %dma_start3A_614 = tpu.memref_slice %arg2[%add3A_605, %multiple_of3A_608] : memref<2048x32000xf32, #tpu.memory_space<hbm>> -> memref<8x128xf32, #tpu.memory_space<hbm>>
    %dma_start3A_615 = arith.constant 0 : i32
    %dma_start3A_616 = arith.constant 0 : i32
    %dma_start3A_617 = tpu.memref_slice %arg6[%dma_start3A_609, %dma_start3A_615, %dma_start3A_616] : memref<64x8x128xf32, #tpu.memory_space<vmem>> -> memref<1x8x128xf32, #tpu.memory_space<vmem>>
    %dma_start3A_618 = tpu.memref_squeeze %dma_start3A_617 : memref<1x8x128xf32, #tpu.memory_space<vmem>> -> memref<8x128xf32, #tpu.memory_space<vmem>>
    %dma_start3A_619 = tpu.memref_slice %arg2[%add3A_605, %multiple_of3A_608] : memref<2048x32000xf32, #tpu.memory_space<hbm>> -> memref<8x128xf32, #tpu.memory_space<hbm>>
    tpu.enqueue_dma source(%dma_start3A_619 : memref<8x128xf32, #tpu.memory_space<hbm>>) target(%dma_start3A_618 : memref<8x128xf32, #tpu.memory_space<vmem>>) target_semaphore(%arg8 : memref<!tpu.dma_semaphore, #tpu.memory_space<semaphore_mem>>)
    %add3A_620 = arith.constant 32 : i32
    %add3A_621 = arith.addi %mul3A_2, %add3A_620 : i32
    %slice3A_622 = vector.extract_strided_slice %and3A_523 {offsets = [6], sizes = [1], strides = [1]} : vector<16xi32> to vector<1xi32>
    %squeeze3A_623 = vector.extract %slice3A_622[0] : i32 from vector<1xi32>
    %multiple_of3A_624 = tpu.assume_multiple %squeeze3A_623, 128 : i32
    %dma_start3A_625 = arith.constant 38 : i32
    %dma_start3A_626 = arith.constant 0 : i32
    %dma_start3A_627 = arith.constant 0 : i32
    %dma_start3A_628 = tpu.memref_slice %arg6[%dma_start3A_625, %dma_start3A_626, %dma_start3A_627] : memref<64x8x128xf32, #tpu.memory_space<vmem>> -> memref<1x8x128xf32, #tpu.memory_space<vmem>>
    %dma_start3A_629 = tpu.memref_squeeze %dma_start3A_628 : memref<1x8x128xf32, #tpu.memory_space<vmem>> -> memref<8x128xf32, #tpu.memory_space<vmem>>
    %dma_start3A_630 = tpu.memref_slice %arg2[%add3A_621, %multiple_of3A_624] : memref<2048x32000xf32, #tpu.memory_space<hbm>> -> memref<8x128xf32, #tpu.memory_space<hbm>>
    %dma_start3A_631 = arith.constant 0 : i32
    %dma_start3A_632 = arith.constant 0 : i32
    %dma_start3A_633 = tpu.memref_slice %arg6[%dma_start3A_625, %dma_start3A_631, %dma_start3A_632] : memref<64x8x128xf32, #tpu.memory_space<vmem>> -> memref<1x8x128xf32, #tpu.memory_space<vmem>>
    %dma_start3A_634 = tpu.memref_squeeze %dma_start3A_633 : memref<1x8x128xf32, #tpu.memory_space<vmem>> -> memref<8x128xf32, #tpu.memory_space<vmem>>
    %dma_start3A_635 = tpu.memref_slice %arg2[%add3A_621, %multiple_of3A_624] : memref<2048x32000xf32, #tpu.memory_space<hbm>> -> memref<8x128xf32, #tpu.memory_space<hbm>>
    tpu.enqueue_dma source(%dma_start3A_635 : memref<8x128xf32, #tpu.memory_space<hbm>>) target(%dma_start3A_634 : memref<8x128xf32, #tpu.memory_space<vmem>>) target_semaphore(%arg8 : memref<!tpu.dma_semaphore, #tpu.memory_space<semaphore_mem>>)
    %add3A_636 = arith.constant 32 : i32
    %add3A_637 = arith.addi %mul3A_2, %add3A_636 : i32
    %slice3A_638 = vector.extract_strided_slice %and3A_523 {offsets = [7], sizes = [1], strides = [1]} : vector<16xi32> to vector<1xi32>
    %squeeze3A_639 = vector.extract %slice3A_638[0] : i32 from vector<1xi32>
    %multiple_of3A_640 = tpu.assume_multiple %squeeze3A_639, 128 : i32
    %dma_start3A_641 = arith.constant 39 : i32
    %dma_start3A_642 = arith.constant 0 : i32
    %dma_start3A_643 = arith.constant 0 : i32
    %dma_start3A_644 = tpu.memref_slice %arg6[%dma_start3A_641, %dma_start3A_642, %dma_start3A_643] : memref<64x8x128xf32, #tpu.memory_space<vmem>> -> memref<1x8x128xf32, #tpu.memory_space<vmem>>
    %dma_start3A_645 = tpu.memref_squeeze %dma_start3A_644 : memref<1x8x128xf32, #tpu.memory_space<vmem>> -> memref<8x128xf32, #tpu.memory_space<vmem>>
    %dma_start3A_646 = tpu.memref_slice %arg2[%add3A_637, %multiple_of3A_640] : memref<2048x32000xf32, #tpu.memory_space<hbm>> -> memref<8x128xf32, #tpu.memory_space<hbm>>
    %dma_start3A_647 = arith.constant 0 : i32
    %dma_start3A_648 = arith.constant 0 : i32
    %dma_start3A_649 = tpu.memref_slice %arg6[%dma_start3A_641, %dma_start3A_647, %dma_start3A_648] : memref<64x8x128xf32, #tpu.memory_space<vmem>> -> memref<1x8x128xf32, #tpu.memory_space<vmem>>
    %dma_start3A_650 = tpu.memref_squeeze %dma_start3A_649 : memref<1x8x128xf32, #tpu.memory_space<vmem>> -> memref<8x128xf32, #tpu.memory_space<vmem>>
    %dma_start3A_651 = tpu.memref_slice %arg2[%add3A_637, %multiple_of3A_640] : memref<2048x32000xf32, #tpu.memory_space<hbm>> -> memref<8x128xf32, #tpu.memory_space<hbm>>
    tpu.enqueue_dma source(%dma_start3A_651 : memref<8x128xf32, #tpu.memory_space<hbm>>) target(%dma_start3A_650 : memref<8x128xf32, #tpu.memory_space<vmem>>) target_semaphore(%arg8 : memref<!tpu.dma_semaphore, #tpu.memory_space<semaphore_mem>>)
    %add3A_652 = arith.constant 40 : i32
    %add3A_653 = arith.addi %mul3A_2, %add3A_652 : i32
    %slice3A_654 = vector.extract_strided_slice %and3A_523 {offsets = [8], sizes = [1], strides = [1]} : vector<16xi32> to vector<1xi32>
    %squeeze3A_655 = vector.extract %slice3A_654[0] : i32 from vector<1xi32>
    %multiple_of3A_656 = tpu.assume_multiple %squeeze3A_655, 128 : i32
    %dma_start3A_657 = arith.constant 40 : i32
    %dma_start3A_658 = arith.constant 0 : i32
    %dma_start3A_659 = arith.constant 0 : i32
    %dma_start3A_660 = tpu.memref_slice %arg6[%dma_start3A_657, %dma_start3A_658, %dma_start3A_659] : memref<64x8x128xf32, #tpu.memory_space<vmem>> -> memref<1x8x128xf32, #tpu.memory_space<vmem>>
    %dma_start3A_661 = tpu.memref_squeeze %dma_start3A_660 : memref<1x8x128xf32, #tpu.memory_space<vmem>> -> memref<8x128xf32, #tpu.memory_space<vmem>>
    %dma_start3A_662 = tpu.memref_slice %arg2[%add3A_653, %multiple_of3A_656] : memref<2048x32000xf32, #tpu.memory_space<hbm>> -> memref<8x128xf32, #tpu.memory_space<hbm>>
    %dma_start3A_663 = arith.constant 0 : i32
    %dma_start3A_664 = arith.constant 0 : i32
    %dma_start3A_665 = tpu.memref_slice %arg6[%dma_start3A_657, %dma_start3A_663, %dma_start3A_664] : memref<64x8x128xf32, #tpu.memory_space<vmem>> -> memref<1x8x128xf32, #tpu.memory_space<vmem>>
    %dma_start3A_666 = tpu.memref_squeeze %dma_start3A_665 : memref<1x8x128xf32, #tpu.memory_space<vmem>> -> memref<8x128xf32, #tpu.memory_space<vmem>>
    %dma_start3A_667 = tpu.memref_slice %arg2[%add3A_653, %multiple_of3A_656] : memref<2048x32000xf32, #tpu.memory_space<hbm>> -> memref<8x128xf32, #tpu.memory_space<hbm>>
    tpu.enqueue_dma source(%dma_start3A_667 : memref<8x128xf32, #tpu.memory_space<hbm>>) target(%dma_start3A_666 : memref<8x128xf32, #tpu.memory_space<vmem>>) target_semaphore(%arg8 : memref<!tpu.dma_semaphore, #tpu.memory_space<semaphore_mem>>)
    %add3A_668 = arith.constant 40 : i32
    %add3A_669 = arith.addi %mul3A_2, %add3A_668 : i32
    %slice3A_670 = vector.extract_strided_slice %and3A_523 {offsets = [9], sizes = [1], strides = [1]} : vector<16xi32> to vector<1xi32>
    %squeeze3A_671 = vector.extract %slice3A_670[0] : i32 from vector<1xi32>
    %multiple_of3A_672 = tpu.assume_multiple %squeeze3A_671, 128 : i32
    %dma_start3A_673 = arith.constant 41 : i32
    %dma_start3A_674 = arith.constant 0 : i32
    %dma_start3A_675 = arith.constant 0 : i32
    %dma_start3A_676 = tpu.memref_slice %arg6[%dma_start3A_673, %dma_start3A_674, %dma_start3A_675] : memref<64x8x128xf32, #tpu.memory_space<vmem>> -> memref<1x8x128xf32, #tpu.memory_space<vmem>>
    %dma_start3A_677 = tpu.memref_squeeze %dma_start3A_676 : memref<1x8x128xf32, #tpu.memory_space<vmem>> -> memref<8x128xf32, #tpu.memory_space<vmem>>
    %dma_start3A_678 = tpu.memref_slice %arg2[%add3A_669, %multiple_of3A_672] : memref<2048x32000xf32, #tpu.memory_space<hbm>> -> memref<8x128xf32, #tpu.memory_space<hbm>>
    %dma_start3A_679 = arith.constant 0 : i32
    %dma_start3A_680 = arith.constant 0 : i32
    %dma_start3A_681 = tpu.memref_slice %arg6[%dma_start3A_673, %dma_start3A_679, %dma_start3A_680] : memref<64x8x128xf32, #tpu.memory_space<vmem>> -> memref<1x8x128xf32, #tpu.memory_space<vmem>>
    %dma_start3A_682 = tpu.memref_squeeze %dma_start3A_681 : memref<1x8x128xf32, #tpu.memory_space<vmem>> -> memref<8x128xf32, #tpu.memory_space<vmem>>
    %dma_start3A_683 = tpu.memref_slice %arg2[%add3A_669, %multiple_of3A_672] : memref<2048x32000xf32, #tpu.memory_space<hbm>> -> memref<8x128xf32, #tpu.memory_space<hbm>>
    tpu.enqueue_dma source(%dma_start3A_683 : memref<8x128xf32, #tpu.memory_space<hbm>>) target(%dma_start3A_682 : memref<8x128xf32, #tpu.memory_space<vmem>>) target_semaphore(%arg8 : memref<!tpu.dma_semaphore, #tpu.memory_space<semaphore_mem>>)
    %add3A_684 = arith.constant 40 : i32
    %add3A_685 = arith.addi %mul3A_2, %add3A_684 : i32
    %slice3A_686 = vector.extract_strided_slice %and3A_523 {offsets = [10], sizes = [1], strides = [1]} : vector<16xi32> to vector<1xi32>
    %squeeze3A_687 = vector.extract %slice3A_686[0] : i32 from vector<1xi32>
    %multiple_of3A_688 = tpu.assume_multiple %squeeze3A_687, 128 : i32
    %dma_start3A_689 = arith.constant 42 : i32
    %dma_start3A_690 = arith.constant 0 : i32
    %dma_start3A_691 = arith.constant 0 : i32
    %dma_start3A_692 = tpu.memref_slice %arg6[%dma_start3A_689, %dma_start3A_690, %dma_start3A_691] : memref<64x8x128xf32, #tpu.memory_space<vmem>> -> memref<1x8x128xf32, #tpu.memory_space<vmem>>
    %dma_start3A_693 = tpu.memref_squeeze %dma_start3A_692 : memref<1x8x128xf32, #tpu.memory_space<vmem>> -> memref<8x128xf32, #tpu.memory_space<vmem>>
    %dma_start3A_694 = tpu.memref_slice %arg2[%add3A_685, %multiple_of3A_688] : memref<2048x32000xf32, #tpu.memory_space<hbm>> -> memref<8x128xf32, #tpu.memory_space<hbm>>
    %dma_start3A_695 = arith.constant 0 : i32
    %dma_start3A_696 = arith.constant 0 : i32
    %dma_start3A_697 = tpu.memref_slice %arg6[%dma_start3A_689, %dma_start3A_695, %dma_start3A_696] : memref<64x8x128xf32, #tpu.memory_space<vmem>> -> memref<1x8x128xf32, #tpu.memory_space<vmem>>
    %dma_start3A_698 = tpu.memref_squeeze %dma_start3A_697 : memref<1x8x128xf32, #tpu.memory_space<vmem>> -> memref<8x128xf32, #tpu.memory_space<vmem>>
    %dma_start3A_699 = tpu.memref_slice %arg2[%add3A_685, %multiple_of3A_688] : memref<2048x32000xf32, #tpu.memory_space<hbm>> -> memref<8x128xf32, #tpu.memory_space<hbm>>
    tpu.enqueue_dma source(%dma_start3A_699 : memref<8x128xf32, #tpu.memory_space<hbm>>) target(%dma_start3A_698 : memref<8x128xf32, #tpu.memory_space<vmem>>) target_semaphore(%arg8 : memref<!tpu.dma_semaphore, #tpu.memory_space<semaphore_mem>>)
    %add3A_700 = arith.constant 40 : i32
    %add3A_701 = arith.addi %mul3A_2, %add3A_700 : i32
    %slice3A_702 = vector.extract_strided_slice %and3A_523 {offsets = [11], sizes = [1], strides = [1]} : vector<16xi32> to vector<1xi32>
    %squeeze3A_703 = vector.extract %slice3A_702[0] : i32 from vector<1xi32>
    %multiple_of3A_704 = tpu.assume_multiple %squeeze3A_703, 128 : i32
    %dma_start3A_705 = arith.constant 43 : i32
    %dma_start3A_706 = arith.constant 0 : i32
    %dma_start3A_707 = arith.constant 0 : i32
    %dma_start3A_708 = tpu.memref_slice %arg6[%dma_start3A_705, %dma_start3A_706, %dma_start3A_707] : memref<64x8x128xf32, #tpu.memory_space<vmem>> -> memref<1x8x128xf32, #tpu.memory_space<vmem>>
    %dma_start3A_709 = tpu.memref_squeeze %dma_start3A_708 : memref<1x8x128xf32, #tpu.memory_space<vmem>> -> memref<8x128xf32, #tpu.memory_space<vmem>>
    %dma_start3A_710 = tpu.memref_slice %arg2[%add3A_701, %multiple_of3A_704] : memref<2048x32000xf32, #tpu.memory_space<hbm>> -> memref<8x128xf32, #tpu.memory_space<hbm>>
    %dma_start3A_711 = arith.constant 0 : i32
    %dma_start3A_712 = arith.constant 0 : i32
    %dma_start3A_713 = tpu.memref_slice %arg6[%dma_start3A_705, %dma_start3A_711, %dma_start3A_712] : memref<64x8x128xf32, #tpu.memory_space<vmem>> -> memref<1x8x128xf32, #tpu.memory_space<vmem>>
    %dma_start3A_714 = tpu.memref_squeeze %dma_start3A_713 : memref<1x8x128xf32, #tpu.memory_space<vmem>> -> memref<8x128xf32, #tpu.memory_space<vmem>>
    %dma_start3A_715 = tpu.memref_slice %arg2[%add3A_701, %multiple_of3A_704] : memref<2048x32000xf32, #tpu.memory_space<hbm>> -> memref<8x128xf32, #tpu.memory_space<hbm>>
    tpu.enqueue_dma source(%dma_start3A_715 : memref<8x128xf32, #tpu.memory_space<hbm>>) target(%dma_start3A_714 : memref<8x128xf32, #tpu.memory_space<vmem>>) target_semaphore(%arg8 : memref<!tpu.dma_semaphore, #tpu.memory_space<semaphore_mem>>)
    %add3A_716 = arith.constant 40 : i32
    %add3A_717 = arith.addi %mul3A_2, %add3A_716 : i32
    %slice3A_718 = vector.extract_strided_slice %and3A_523 {offsets = [12], sizes = [1], strides = [1]} : vector<16xi32> to vector<1xi32>
    %squeeze3A_719 = vector.extract %slice3A_718[0] : i32 from vector<1xi32>
    %multiple_of3A_720 = tpu.assume_multiple %squeeze3A_719, 128 : i32
    %dma_start3A_721 = arith.constant 44 : i32
    %dma_start3A_722 = arith.constant 0 : i32
    %dma_start3A_723 = arith.constant 0 : i32
    %dma_start3A_724 = tpu.memref_slice %arg6[%dma_start3A_721, %dma_start3A_722, %dma_start3A_723] : memref<64x8x128xf32, #tpu.memory_space<vmem>> -> memref<1x8x128xf32, #tpu.memory_space<vmem>>
    %dma_start3A_725 = tpu.memref_squeeze %dma_start3A_724 : memref<1x8x128xf32, #tpu.memory_space<vmem>> -> memref<8x128xf32, #tpu.memory_space<vmem>>
    %dma_start3A_726 = tpu.memref_slice %arg2[%add3A_717, %multiple_of3A_720] : memref<2048x32000xf32, #tpu.memory_space<hbm>> -> memref<8x128xf32, #tpu.memory_space<hbm>>
    %dma_start3A_727 = arith.constant 0 : i32
    %dma_start3A_728 = arith.constant 0 : i32
    %dma_start3A_729 = tpu.memref_slice %arg6[%dma_start3A_721, %dma_start3A_727, %dma_start3A_728] : memref<64x8x128xf32, #tpu.memory_space<vmem>> -> memref<1x8x128xf32, #tpu.memory_space<vmem>>
    %dma_start3A_730 = tpu.memref_squeeze %dma_start3A_729 : memref<1x8x128xf32, #tpu.memory_space<vmem>> -> memref<8x128xf32, #tpu.memory_space<vmem>>
    %dma_start3A_731 = tpu.memref_slice %arg2[%add3A_717, %multiple_of3A_720] : memref<2048x32000xf32, #tpu.memory_space<hbm>> -> memref<8x128xf32, #tpu.memory_space<hbm>>
    tpu.enqueue_dma source(%dma_start3A_731 : memref<8x128xf32, #tpu.memory_space<hbm>>) target(%dma_start3A_730 : memref<8x128xf32, #tpu.memory_space<vmem>>) target_semaphore(%arg8 : memref<!tpu.dma_semaphore, #tpu.memory_space<semaphore_mem>>)
    %add3A_732 = arith.constant 40 : i32
    %add3A_733 = arith.addi %mul3A_2, %add3A_732 : i32
    %slice3A_734 = vector.extract_strided_slice %and3A_523 {offsets = [13], sizes = [1], strides = [1]} : vector<16xi32> to vector<1xi32>
    %squeeze3A_735 = vector.extract %slice3A_734[0] : i32 from vector<1xi32>
    %multiple_of3A_736 = tpu.assume_multiple %squeeze3A_735, 128 : i32
    %dma_start3A_737 = arith.constant 45 : i32
    %dma_start3A_738 = arith.constant 0 : i32
    %dma_start3A_739 = arith.constant 0 : i32
    %dma_start3A_740 = tpu.memref_slice %arg6[%dma_start3A_737, %dma_start3A_738, %dma_start3A_739] : memref<64x8x128xf32, #tpu.memory_space<vmem>> -> memref<1x8x128xf32, #tpu.memory_space<vmem>>
    %dma_start3A_741 = tpu.memref_squeeze %dma_start3A_740 : memref<1x8x128xf32, #tpu.memory_space<vmem>> -> memref<8x128xf32, #tpu.memory_space<vmem>>
    %dma_start3A_742 = tpu.memref_slice %arg2[%add3A_733, %multiple_of3A_736] : memref<2048x32000xf32, #tpu.memory_space<hbm>> -> memref<8x128xf32, #tpu.memory_space<hbm>>
    %dma_start3A_743 = arith.constant 0 : i32
    %dma_start3A_744 = arith.constant 0 : i32
    %dma_start3A_745 = tpu.memref_slice %arg6[%dma_start3A_737, %dma_start3A_743, %dma_start3A_744] : memref<64x8x128xf32, #tpu.memory_space<vmem>> -> memref<1x8x128xf32, #tpu.memory_space<vmem>>
    %dma_start3A_746 = tpu.memref_squeeze %dma_start3A_745 : memref<1x8x128xf32, #tpu.memory_space<vmem>> -> memref<8x128xf32, #tpu.memory_space<vmem>>
    %dma_start3A_747 = tpu.memref_slice %arg2[%add3A_733, %multiple_of3A_736] : memref<2048x32000xf32, #tpu.memory_space<hbm>> -> memref<8x128xf32, #tpu.memory_space<hbm>>
    tpu.enqueue_dma source(%dma_start3A_747 : memref<8x128xf32, #tpu.memory_space<hbm>>) target(%dma_start3A_746 : memref<8x128xf32, #tpu.memory_space<vmem>>) target_semaphore(%arg8 : memref<!tpu.dma_semaphore, #tpu.memory_space<semaphore_mem>>)
    %add3A_748 = arith.constant 40 : i32
    %add3A_749 = arith.addi %mul3A_2, %add3A_748 : i32
    %slice3A_750 = vector.extract_strided_slice %and3A_523 {offsets = [14], sizes = [1], strides = [1]} : vector<16xi32> to vector<1xi32>
    %squeeze3A_751 = vector.extract %slice3A_750[0] : i32 from vector<1xi32>
    %multiple_of3A_752 = tpu.assume_multiple %squeeze3A_751, 128 : i32
    %dma_start3A_753 = arith.constant 46 : i32
    %dma_start3A_754 = arith.constant 0 : i32
    %dma_start3A_755 = arith.constant 0 : i32
    %dma_start3A_756 = tpu.memref_slice %arg6[%dma_start3A_753, %dma_start3A_754, %dma_start3A_755] : memref<64x8x128xf32, #tpu.memory_space<vmem>> -> memref<1x8x128xf32, #tpu.memory_space<vmem>>
    %dma_start3A_757 = tpu.memref_squeeze %dma_start3A_756 : memref<1x8x128xf32, #tpu.memory_space<vmem>> -> memref<8x128xf32, #tpu.memory_space<vmem>>
    %dma_start3A_758 = tpu.memref_slice %arg2[%add3A_749, %multiple_of3A_752] : memref<2048x32000xf32, #tpu.memory_space<hbm>> -> memref<8x128xf32, #tpu.memory_space<hbm>>
    %dma_start3A_759 = arith.constant 0 : i32
    %dma_start3A_760 = arith.constant 0 : i32
    %dma_start3A_761 = tpu.memref_slice %arg6[%dma_start3A_753, %dma_start3A_759, %dma_start3A_760] : memref<64x8x128xf32, #tpu.memory_space<vmem>> -> memref<1x8x128xf32, #tpu.memory_space<vmem>>
    %dma_start3A_762 = tpu.memref_squeeze %dma_start3A_761 : memref<1x8x128xf32, #tpu.memory_space<vmem>> -> memref<8x128xf32, #tpu.memory_space<vmem>>
    %dma_start3A_763 = tpu.memref_slice %arg2[%add3A_749, %multiple_of3A_752] : memref<2048x32000xf32, #tpu.memory_space<hbm>> -> memref<8x128xf32, #tpu.memory_space<hbm>>
    tpu.enqueue_dma source(%dma_start3A_763 : memref<8x128xf32, #tpu.memory_space<hbm>>) target(%dma_start3A_762 : memref<8x128xf32, #tpu.memory_space<vmem>>) target_semaphore(%arg8 : memref<!tpu.dma_semaphore, #tpu.memory_space<semaphore_mem>>)
    %add3A_764 = arith.constant 40 : i32
    %add3A_765 = arith.addi %mul3A_2, %add3A_764 : i32
    %slice3A_766 = vector.extract_strided_slice %and3A_523 {offsets = [15], sizes = [1], strides = [1]} : vector<16xi32> to vector<1xi32>
    %squeeze3A_767 = vector.extract %slice3A_766[0] : i32 from vector<1xi32>
    %multiple_of3A_768 = tpu.assume_multiple %squeeze3A_767, 128 : i32
    %dma_start3A_769 = arith.constant 47 : i32
    %dma_start3A_770 = arith.constant 0 : i32
    %dma_start3A_771 = arith.constant 0 : i32
    %dma_start3A_772 = tpu.memref_slice %arg6[%dma_start3A_769, %dma_start3A_770, %dma_start3A_771] : memref<64x8x128xf32, #tpu.memory_space<vmem>> -> memref<1x8x128xf32, #tpu.memory_space<vmem>>
    %dma_start3A_773 = tpu.memref_squeeze %dma_start3A_772 : memref<1x8x128xf32, #tpu.memory_space<vmem>> -> memref<8x128xf32, #tpu.memory_space<vmem>>
    %dma_start3A_774 = tpu.memref_slice %arg2[%add3A_765, %multiple_of3A_768] : memref<2048x32000xf32, #tpu.memory_space<hbm>> -> memref<8x128xf32, #tpu.memory_space<hbm>>
    %dma_start3A_775 = arith.constant 0 : i32
    %dma_start3A_776 = arith.constant 0 : i32
    %dma_start3A_777 = tpu.memref_slice %arg6[%dma_start3A_769, %dma_start3A_775, %dma_start3A_776] : memref<64x8x128xf32, #tpu.memory_space<vmem>> -> memref<1x8x128xf32, #tpu.memory_space<vmem>>
    %dma_start3A_778 = tpu.memref_squeeze %dma_start3A_777 : memref<1x8x128xf32, #tpu.memory_space<vmem>> -> memref<8x128xf32, #tpu.memory_space<vmem>>
    %dma_start3A_779 = tpu.memref_slice %arg2[%add3A_765, %multiple_of3A_768] : memref<2048x32000xf32, #tpu.memory_space<hbm>> -> memref<8x128xf32, #tpu.memory_space<hbm>>
    tpu.enqueue_dma source(%dma_start3A_779 : memref<8x128xf32, #tpu.memory_space<hbm>>) target(%dma_start3A_778 : memref<8x128xf32, #tpu.memory_space<vmem>>) target_semaphore(%arg8 : memref<!tpu.dma_semaphore, #tpu.memory_space<semaphore_mem>>)
    %get3A_780 = arith.constant 48 : index
    %get3A_781 = tpu.vector_load %arg5[%get3A_780] {strides = array<i32>} : memref<64xi32, #tpu.memory_space<vmem>>, vector<16xi32>,
    %and3A_782 = arith.constant -128 : i32
    %and3A_783 = vector.broadcast %and3A_782 : i32 to vector<16xi32>
    %and3A_784 = arith.andi %get3A_781, %and3A_783 : vector<16xi32>
    %add3A_785 = arith.constant 48 : i32
    %add3A_786 = arith.addi %mul3A_2, %add3A_785 : i32
    %slice3A_787 = vector.extract_strided_slice %and3A_784 {offsets = [0], sizes = [1], strides = [1]} : vector<16xi32> to vector<1xi32>
    %squeeze3A_788 = vector.extract %slice3A_787[0] : i32 from vector<1xi32>
    %multiple_of3A_789 = tpu.assume_multiple %squeeze3A_788, 128 : i32
    %dma_start3A_790 = arith.constant 48 : i32
    %dma_start3A_791 = arith.constant 0 : i32
    %dma_start3A_792 = arith.constant 0 : i32
    %dma_start3A_793 = tpu.memref_slice %arg6[%dma_start3A_790, %dma_start3A_791, %dma_start3A_792] : memref<64x8x128xf32, #tpu.memory_space<vmem>> -> memref<1x8x128xf32, #tpu.memory_space<vmem>>
    %dma_start3A_794 = tpu.memref_squeeze %dma_start3A_793 : memref<1x8x128xf32, #tpu.memory_space<vmem>> -> memref<8x128xf32, #tpu.memory_space<vmem>>
    %dma_start3A_795 = tpu.memref_slice %arg2[%add3A_786, %multiple_of3A_789] : memref<2048x32000xf32, #tpu.memory_space<hbm>> -> memref<8x128xf32, #tpu.memory_space<hbm>>
    %dma_start3A_796 = arith.constant 0 : i32
    %dma_start3A_797 = arith.constant 0 : i32
    %dma_start3A_798 = tpu.memref_slice %arg6[%dma_start3A_790, %dma_start3A_796, %dma_start3A_797] : memref<64x8x128xf32, #tpu.memory_space<vmem>> -> memref<1x8x128xf32, #tpu.memory_space<vmem>>
    %dma_start3A_799 = tpu.memref_squeeze %dma_start3A_798 : memref<1x8x128xf32, #tpu.memory_space<vmem>> -> memref<8x128xf32, #tpu.memory_space<vmem>>
    %dma_start3A_800 = tpu.memref_slice %arg2[%add3A_786, %multiple_of3A_789] : memref<2048x32000xf32, #tpu.memory_space<hbm>> -> memref<8x128xf32, #tpu.memory_space<hbm>>
    tpu.enqueue_dma source(%dma_start3A_800 : memref<8x128xf32, #tpu.memory_space<hbm>>) target(%dma_start3A_799 : memref<8x128xf32, #tpu.memory_space<vmem>>) target_semaphore(%arg8 : memref<!tpu.dma_semaphore, #tpu.memory_space<semaphore_mem>>)
    %add3A_801 = arith.constant 48 : i32
    %add3A_802 = arith.addi %mul3A_2, %add3A_801 : i32
    %slice3A_803 = vector.extract_strided_slice %and3A_784 {offsets = [1], sizes = [1], strides = [1]} : vector<16xi32> to vector<1xi32>
    %squeeze3A_804 = vector.extract %slice3A_803[0] : i32 from vector<1xi32>
    %multiple_of3A_805 = tpu.assume_multiple %squeeze3A_804, 128 : i32
    %dma_start3A_806 = arith.constant 49 : i32
    %dma_start3A_807 = arith.constant 0 : i32
    %dma_start3A_808 = arith.constant 0 : i32
    %dma_start3A_809 = tpu.memref_slice %arg6[%dma_start3A_806, %dma_start3A_807, %dma_start3A_808] : memref<64x8x128xf32, #tpu.memory_space<vmem>> -> memref<1x8x128xf32, #tpu.memory_space<vmem>>
    %dma_start3A_810 = tpu.memref_squeeze %dma_start3A_809 : memref<1x8x128xf32, #tpu.memory_space<vmem>> -> memref<8x128xf32, #tpu.memory_space<vmem>>
    %dma_start3A_811 = tpu.memref_slice %arg2[%add3A_802, %multiple_of3A_805] : memref<2048x32000xf32, #tpu.memory_space<hbm>> -> memref<8x128xf32, #tpu.memory_space<hbm>>
    %dma_start3A_812 = arith.constant 0 : i32
    %dma_start3A_813 = arith.constant 0 : i32
    %dma_start3A_814 = tpu.memref_slice %arg6[%dma_start3A_806, %dma_start3A_812, %dma_start3A_813] : memref<64x8x128xf32, #tpu.memory_space<vmem>> -> memref<1x8x128xf32, #tpu.memory_space<vmem>>
    %dma_start3A_815 = tpu.memref_squeeze %dma_start3A_814 : memref<1x8x128xf32, #tpu.memory_space<vmem>> -> memref<8x128xf32, #tpu.memory_space<vmem>>
    %dma_start3A_816 = tpu.memref_slice %arg2[%add3A_802, %multiple_of3A_805] : memref<2048x32000xf32, #tpu.memory_space<hbm>> -> memref<8x128xf32, #tpu.memory_space<hbm>>
    tpu.enqueue_dma source(%dma_start3A_816 : memref<8x128xf32, #tpu.memory_space<hbm>>) target(%dma_start3A_815 : memref<8x128xf32, #tpu.memory_space<vmem>>) target_semaphore(%arg8 : memref<!tpu.dma_semaphore, #tpu.memory_space<semaphore_mem>>)
    %add3A_817 = arith.constant 48 : i32
    %add3A_818 = arith.addi %mul3A_2, %add3A_817 : i32
    %slice3A_819 = vector.extract_strided_slice %and3A_784 {offsets = [2], sizes = [1], strides = [1]} : vector<16xi32> to vector<1xi32>
    %squeeze3A_820 = vector.extract %slice3A_819[0] : i32 from vector<1xi32>
    %multiple_of3A_821 = tpu.assume_multiple %squeeze3A_820, 128 : i32
    %dma_start3A_822 = arith.constant 50 : i32
    %dma_start3A_823 = arith.constant 0 : i32
    %dma_start3A_824 = arith.constant 0 : i32
    %dma_start3A_825 = tpu.memref_slice %arg6[%dma_start3A_822, %dma_start3A_823, %dma_start3A_824] : memref<64x8x128xf32, #tpu.memory_space<vmem>> -> memref<1x8x128xf32, #tpu.memory_space<vmem>>
    %dma_start3A_826 = tpu.memref_squeeze %dma_start3A_825 : memref<1x8x128xf32, #tpu.memory_space<vmem>> -> memref<8x128xf32, #tpu.memory_space<vmem>>
    %dma_start3A_827 = tpu.memref_slice %arg2[%add3A_818, %multiple_of3A_821] : memref<2048x32000xf32, #tpu.memory_space<hbm>> -> memref<8x128xf32, #tpu.memory_space<hbm>>
    %dma_start3A_828 = arith.constant 0 : i32
    %dma_start3A_829 = arith.constant 0 : i32
    %dma_start3A_830 = tpu.memref_slice %arg6[%dma_start3A_822, %dma_start3A_828, %dma_start3A_829] : memref<64x8x128xf32, #tpu.memory_space<vmem>> -> memref<1x8x128xf32, #tpu.memory_space<vmem>>
    %dma_start3A_831 = tpu.memref_squeeze %dma_start3A_830 : memref<1x8x128xf32, #tpu.memory_space<vmem>> -> memref<8x128xf32, #tpu.memory_space<vmem>>
    %dma_start3A_832 = tpu.memref_slice %arg2[%add3A_818, %multiple_of3A_821] : memref<2048x32000xf32, #tpu.memory_space<hbm>> -> memref<8x128xf32, #tpu.memory_space<hbm>>
    tpu.enqueue_dma source(%dma_start3A_832 : memref<8x128xf32, #tpu.memory_space<hbm>>) target(%dma_start3A_831 : memref<8x128xf32, #tpu.memory_space<vmem>>) target_semaphore(%arg8 : memref<!tpu.dma_semaphore, #tpu.memory_space<semaphore_mem>>)
    %add3A_833 = arith.constant 48 : i32
    %add3A_834 = arith.addi %mul3A_2, %add3A_833 : i32
    %slice3A_835 = vector.extract_strided_slice %and3A_784 {offsets = [3], sizes = [1], strides = [1]} : vector<16xi32> to vector<1xi32>
    %squeeze3A_836 = vector.extract %slice3A_835[0] : i32 from vector<1xi32>
    %multiple_of3A_837 = tpu.assume_multiple %squeeze3A_836, 128 : i32
    %dma_start3A_838 = arith.constant 51 : i32
    %dma_start3A_839 = arith.constant 0 : i32
    %dma_start3A_840 = arith.constant 0 : i32
    %dma_start3A_841 = tpu.memref_slice %arg6[%dma_start3A_838, %dma_start3A_839, %dma_start3A_840] : memref<64x8x128xf32, #tpu.memory_space<vmem>> -> memref<1x8x128xf32, #tpu.memory_space<vmem>>
    %dma_start3A_842 = tpu.memref_squeeze %dma_start3A_841 : memref<1x8x128xf32, #tpu.memory_space<vmem>> -> memref<8x128xf32, #tpu.memory_space<vmem>>
    %dma_start3A_843 = tpu.memref_slice %arg2[%add3A_834, %multiple_of3A_837] : memref<2048x32000xf32, #tpu.memory_space<hbm>> -> memref<8x128xf32, #tpu.memory_space<hbm>>
    %dma_start3A_844 = arith.constant 0 : i32
    %dma_start3A_845 = arith.constant 0 : i32
    %dma_start3A_846 = tpu.memref_slice %arg6[%dma_start3A_838, %dma_start3A_844, %dma_start3A_845] : memref<64x8x128xf32, #tpu.memory_space<vmem>> -> memref<1x8x128xf32, #tpu.memory_space<vmem>>
    %dma_start3A_847 = tpu.memref_squeeze %dma_start3A_846 : memref<1x8x128xf32, #tpu.memory_space<vmem>> -> memref<8x128xf32, #tpu.memory_space<vmem>>
    %dma_start3A_848 = tpu.memref_slice %arg2[%add3A_834, %multiple_of3A_837] : memref<2048x32000xf32, #tpu.memory_space<hbm>> -> memref<8x128xf32, #tpu.memory_space<hbm>>
    tpu.enqueue_dma source(%dma_start3A_848 : memref<8x128xf32, #tpu.memory_space<hbm>>) target(%dma_start3A_847 : memref<8x128xf32, #tpu.memory_space<vmem>>) target_semaphore(%arg8 : memref<!tpu.dma_semaphore, #tpu.memory_space<semaphore_mem>>)
    %add3A_849 = arith.constant 48 : i32
    %add3A_850 = arith.addi %mul3A_2, %add3A_849 : i32
    %slice3A_851 = vector.extract_strided_slice %and3A_784 {offsets = [4], sizes = [1], strides = [1]} : vector<16xi32> to vector<1xi32>
    %squeeze3A_852 = vector.extract %slice3A_851[0] : i32 from vector<1xi32>
    %multiple_of3A_853 = tpu.assume_multiple %squeeze3A_852, 128 : i32
    %dma_start3A_854 = arith.constant 52 : i32
    %dma_start3A_855 = arith.constant 0 : i32
    %dma_start3A_856 = arith.constant 0 : i32
    %dma_start3A_857 = tpu.memref_slice %arg6[%dma_start3A_854, %dma_start3A_855, %dma_start3A_856] : memref<64x8x128xf32, #tpu.memory_space<vmem>> -> memref<1x8x128xf32, #tpu.memory_space<vmem>>
    %dma_start3A_858 = tpu.memref_squeeze %dma_start3A_857 : memref<1x8x128xf32, #tpu.memory_space<vmem>> -> memref<8x128xf32, #tpu.memory_space<vmem>>
    %dma_start3A_859 = tpu.memref_slice %arg2[%add3A_850, %multiple_of3A_853] : memref<2048x32000xf32, #tpu.memory_space<hbm>> -> memref<8x128xf32, #tpu.memory_space<hbm>>
    %dma_start3A_860 = arith.constant 0 : i32
    %dma_start3A_861 = arith.constant 0 : i32
    %dma_start3A_862 = tpu.memref_slice %arg6[%dma_start3A_854, %dma_start3A_860, %dma_start3A_861] : memref<64x8x128xf32, #tpu.memory_space<vmem>> -> memref<1x8x128xf32, #tpu.memory_space<vmem>>
    %dma_start3A_863 = tpu.memref_squeeze %dma_start3A_862 : memref<1x8x128xf32, #tpu.memory_space<vmem>> -> memref<8x128xf32, #tpu.memory_space<vmem>>
    %dma_start3A_864 = tpu.memref_slice %arg2[%add3A_850, %multiple_of3A_853] : memref<2048x32000xf32, #tpu.memory_space<hbm>> -> memref<8x128xf32, #tpu.memory_space<hbm>>
    tpu.enqueue_dma source(%dma_start3A_864 : memref<8x128xf32, #tpu.memory_space<hbm>>) target(%dma_start3A_863 : memref<8x128xf32, #tpu.memory_space<vmem>>) target_semaphore(%arg8 : memref<!tpu.dma_semaphore, #tpu.memory_space<semaphore_mem>>)
    %add3A_865 = arith.constant 48 : i32
    %add3A_866 = arith.addi %mul3A_2, %add3A_865 : i32
    %slice3A_867 = vector.extract_strided_slice %and3A_784 {offsets = [5], sizes = [1], strides = [1]} : vector<16xi32> to vector<1xi32>
    %squeeze3A_868 = vector.extract %slice3A_867[0] : i32 from vector<1xi32>
    %multiple_of3A_869 = tpu.assume_multiple %squeeze3A_868, 128 : i32
    %dma_start3A_870 = arith.constant 53 : i32
    %dma_start3A_871 = arith.constant 0 : i32
    %dma_start3A_872 = arith.constant 0 : i32
    %dma_start3A_873 = tpu.memref_slice %arg6[%dma_start3A_870, %dma_start3A_871, %dma_start3A_872] : memref<64x8x128xf32, #tpu.memory_space<vmem>> -> memref<1x8x128xf32, #tpu.memory_space<vmem>>
    %dma_start3A_874 = tpu.memref_squeeze %dma_start3A_873 : memref<1x8x128xf32, #tpu.memory_space<vmem>> -> memref<8x128xf32, #tpu.memory_space<vmem>>
    %dma_start3A_875 = tpu.memref_slice %arg2[%add3A_866, %multiple_of3A_869] : memref<2048x32000xf32, #tpu.memory_space<hbm>> -> memref<8x128xf32, #tpu.memory_space<hbm>>
    %dma_start3A_876 = arith.constant 0 : i32
    %dma_start3A_877 = arith.constant 0 : i32
    %dma_start3A_878 = tpu.memref_slice %arg6[%dma_start3A_870, %dma_start3A_876, %dma_start3A_877] : memref<64x8x128xf32, #tpu.memory_space<vmem>> -> memref<1x8x128xf32, #tpu.memory_space<vmem>>
    %dma_start3A_879 = tpu.memref_squeeze %dma_start3A_878 : memref<1x8x128xf32, #tpu.memory_space<vmem>> -> memref<8x128xf32, #tpu.memory_space<vmem>>
    %dma_start3A_880 = tpu.memref_slice %arg2[%add3A_866, %multiple_of3A_869] : memref<2048x32000xf32, #tpu.memory_space<hbm>> -> memref<8x128xf32, #tpu.memory_space<hbm>>
    tpu.enqueue_dma source(%dma_start3A_880 : memref<8x128xf32, #tpu.memory_space<hbm>>) target(%dma_start3A_879 : memref<8x128xf32, #tpu.memory_space<vmem>>) target_semaphore(%arg8 : memref<!tpu.dma_semaphore, #tpu.memory_space<semaphore_mem>>)
    %add3A_881 = arith.constant 48 : i32
    %add3A_882 = arith.addi %mul3A_2, %add3A_881 : i32
    %slice3A_883 = vector.extract_strided_slice %and3A_784 {offsets = [6], sizes = [1], strides = [1]} : vector<16xi32> to vector<1xi32>
    %squeeze3A_884 = vector.extract %slice3A_883[0] : i32 from vector<1xi32>
    %multiple_of3A_885 = tpu.assume_multiple %squeeze3A_884, 128 : i32
    %dma_start3A_886 = arith.constant 54 : i32
    %dma_start3A_887 = arith.constant 0 : i32
    %dma_start3A_888 = arith.constant 0 : i32
    %dma_start3A_889 = tpu.memref_slice %arg6[%dma_start3A_886, %dma_start3A_887, %dma_start3A_888] : memref<64x8x128xf32, #tpu.memory_space<vmem>> -> memref<1x8x128xf32, #tpu.memory_space<vmem>>
    %dma_start3A_890 = tpu.memref_squeeze %dma_start3A_889 : memref<1x8x128xf32, #tpu.memory_space<vmem>> -> memref<8x128xf32, #tpu.memory_space<vmem>>
    %dma_start3A_891 = tpu.memref_slice %arg2[%add3A_882, %multiple_of3A_885] : memref<2048x32000xf32, #tpu.memory_space<hbm>> -> memref<8x128xf32, #tpu.memory_space<hbm>>
    %dma_start3A_892 = arith.constant 0 : i32
    %dma_start3A_893 = arith.constant 0 : i32
    %dma_start3A_894 = tpu.memref_slice %arg6[%dma_start3A_886, %dma_start3A_892, %dma_start3A_893] : memref<64x8x128xf32, #tpu.memory_space<vmem>> -> memref<1x8x128xf32, #tpu.memory_space<vmem>>
    %dma_start3A_895 = tpu.memref_squeeze %dma_start3A_894 : memref<1x8x128xf32, #tpu.memory_space<vmem>> -> memref<8x128xf32, #tpu.memory_space<vmem>>
    %dma_start3A_896 = tpu.memref_slice %arg2[%add3A_882, %multiple_of3A_885] : memref<2048x32000xf32, #tpu.memory_space<hbm>> -> memref<8x128xf32, #tpu.memory_space<hbm>>
    tpu.enqueue_dma source(%dma_start3A_896 : memref<8x128xf32, #tpu.memory_space<hbm>>) target(%dma_start3A_895 : memref<8x128xf32, #tpu.memory_space<vmem>>) target_semaphore(%arg8 : memref<!tpu.dma_semaphore, #tpu.memory_space<semaphore_mem>>)
    %add3A_897 = arith.constant 48 : i32
    %add3A_898 = arith.addi %mul3A_2, %add3A_897 : i32
    %slice3A_899 = vector.extract_strided_slice %and3A_784 {offsets = [7], sizes = [1], strides = [1]} : vector<16xi32> to vector<1xi32>
    %squeeze3A_900 = vector.extract %slice3A_899[0] : i32 from vector<1xi32>
    %multiple_of3A_901 = tpu.assume_multiple %squeeze3A_900, 128 : i32
    %dma_start3A_902 = arith.constant 55 : i32
    %dma_start3A_903 = arith.constant 0 : i32
    %dma_start3A_904 = arith.constant 0 : i32
    %dma_start3A_905 = tpu.memref_slice %arg6[%dma_start3A_902, %dma_start3A_903, %dma_start3A_904] : memref<64x8x128xf32, #tpu.memory_space<vmem>> -> memref<1x8x128xf32, #tpu.memory_space<vmem>>
    %dma_start3A_906 = tpu.memref_squeeze %dma_start3A_905 : memref<1x8x128xf32, #tpu.memory_space<vmem>> -> memref<8x128xf32, #tpu.memory_space<vmem>>
    %dma_start3A_907 = tpu.memref_slice %arg2[%add3A_898, %multiple_of3A_901] : memref<2048x32000xf32, #tpu.memory_space<hbm>> -> memref<8x128xf32, #tpu.memory_space<hbm>>
    %dma_start3A_908 = arith.constant 0 : i32
    %dma_start3A_909 = arith.constant 0 : i32
    %dma_start3A_910 = tpu.memref_slice %arg6[%dma_start3A_902, %dma_start3A_908, %dma_start3A_909] : memref<64x8x128xf32, #tpu.memory_space<vmem>> -> memref<1x8x128xf32, #tpu.memory_space<vmem>>
    %dma_start3A_911 = tpu.memref_squeeze %dma_start3A_910 : memref<1x8x128xf32, #tpu.memory_space<vmem>> -> memref<8x128xf32, #tpu.memory_space<vmem>>
    %dma_start3A_912 = tpu.memref_slice %arg2[%add3A_898, %multiple_of3A_901] : memref<2048x32000xf32, #tpu.memory_space<hbm>> -> memref<8x128xf32, #tpu.memory_space<hbm>>
    tpu.enqueue_dma source(%dma_start3A_912 : memref<8x128xf32, #tpu.memory_space<hbm>>) target(%dma_start3A_911 : memref<8x128xf32, #tpu.memory_space<vmem>>) target_semaphore(%arg8 : memref<!tpu.dma_semaphore, #tpu.memory_space<semaphore_mem>>)
    %add3A_913 = arith.constant 56 : i32
    %add3A_914 = arith.addi %mul3A_2, %add3A_913 : i32
    %slice3A_915 = vector.extract_strided_slice %and3A_784 {offsets = [8], sizes = [1], strides = [1]} : vector<16xi32> to vector<1xi32>
    %squeeze3A_916 = vector.extract %slice3A_915[0] : i32 from vector<1xi32>
    %multiple_of3A_917 = tpu.assume_multiple %squeeze3A_916, 128 : i32
    %dma_start3A_918 = arith.constant 56 : i32
    %dma_start3A_919 = arith.constant 0 : i32
    %dma_start3A_920 = arith.constant 0 : i32
    %dma_start3A_921 = tpu.memref_slice %arg6[%dma_start3A_918, %dma_start3A_919, %dma_start3A_920] : memref<64x8x128xf32, #tpu.memory_space<vmem>> -> memref<1x8x128xf32, #tpu.memory_space<vmem>>
    %dma_start3A_922 = tpu.memref_squeeze %dma_start3A_921 : memref<1x8x128xf32, #tpu.memory_space<vmem>> -> memref<8x128xf32, #tpu.memory_space<vmem>>
    %dma_start3A_923 = tpu.memref_slice %arg2[%add3A_914, %multiple_of3A_917] : memref<2048x32000xf32, #tpu.memory_space<hbm>> -> memref<8x128xf32, #tpu.memory_space<hbm>>
    %dma_start3A_924 = arith.constant 0 : i32
    %dma_start3A_925 = arith.constant 0 : i32
    %dma_start3A_926 = tpu.memref_slice %arg6[%dma_start3A_918, %dma_start3A_924, %dma_start3A_925] : memref<64x8x128xf32, #tpu.memory_space<vmem>> -> memref<1x8x128xf32, #tpu.memory_space<vmem>>
    %dma_start3A_927 = tpu.memref_squeeze %dma_start3A_926 : memref<1x8x128xf32, #tpu.memory_space<vmem>> -> memref<8x128xf32, #tpu.memory_space<vmem>>
    %dma_start3A_928 = tpu.memref_slice %arg2[%add3A_914, %multiple_of3A_917] : memref<2048x32000xf32, #tpu.memory_space<hbm>> -> memref<8x128xf32, #tpu.memory_space<hbm>>
    tpu.enqueue_dma source(%dma_start3A_928 : memref<8x128xf32, #tpu.memory_space<hbm>>) target(%dma_start3A_927 : memref<8x128xf32, #tpu.memory_space<vmem>>) target_semaphore(%arg8 : memref<!tpu.dma_semaphore, #tpu.memory_space<semaphore_mem>>)
    %add3A_929 = arith.constant 56 : i32
    %add3A_930 = arith.addi %mul3A_2, %add3A_929 : i32
    %slice3A_931 = vector.extract_strided_slice %and3A_784 {offsets = [9], sizes = [1], strides = [1]} : vector<16xi32> to vector<1xi32>
    %squeeze3A_932 = vector.extract %slice3A_931[0] : i32 from vector<1xi32>
    %multiple_of3A_933 = tpu.assume_multiple %squeeze3A_932, 128 : i32
    %dma_start3A_934 = arith.constant 57 : i32
    %dma_start3A_935 = arith.constant 0 : i32
    %dma_start3A_936 = arith.constant 0 : i32
    %dma_start3A_937 = tpu.memref_slice %arg6[%dma_start3A_934, %dma_start3A_935, %dma_start3A_936] : memref<64x8x128xf32, #tpu.memory_space<vmem>> -> memref<1x8x128xf32, #tpu.memory_space<vmem>>
    %dma_start3A_938 = tpu.memref_squeeze %dma_start3A_937 : memref<1x8x128xf32, #tpu.memory_space<vmem>> -> memref<8x128xf32, #tpu.memory_space<vmem>>
    %dma_start3A_939 = tpu.memref_slice %arg2[%add3A_930, %multiple_of3A_933] : memref<2048x32000xf32, #tpu.memory_space<hbm>> -> memref<8x128xf32, #tpu.memory_space<hbm>>
    %dma_start3A_940 = arith.constant 0 : i32
    %dma_start3A_941 = arith.constant 0 : i32
    %dma_start3A_942 = tpu.memref_slice %arg6[%dma_start3A_934, %dma_start3A_940, %dma_start3A_941] : memref<64x8x128xf32, #tpu.memory_space<vmem>> -> memref<1x8x128xf32, #tpu.memory_space<vmem>>
    %dma_start3A_943 = tpu.memref_squeeze %dma_start3A_942 : memref<1x8x128xf32, #tpu.memory_space<vmem>> -> memref<8x128xf32, #tpu.memory_space<vmem>>
    %dma_start3A_944 = tpu.memref_slice %arg2[%add3A_930, %multiple_of3A_933] : memref<2048x32000xf32, #tpu.memory_space<hbm>> -> memref<8x128xf32, #tpu.memory_space<hbm>>
    tpu.enqueue_dma source(%dma_start3A_944 : memref<8x128xf32, #tpu.memory_space<hbm>>) target(%dma_start3A_943 : memref<8x128xf32, #tpu.memory_space<vmem>>) target_semaphore(%arg8 : memref<!tpu.dma_semaphore, #tpu.memory_space<semaphore_mem>>)
    %add3A_945 = arith.constant 56 : i32
    %add3A_946 = arith.addi %mul3A_2, %add3A_945 : i32
    %slice3A_947 = vector.extract_strided_slice %and3A_784 {offsets = [10], sizes = [1], strides = [1]} : vector<16xi32> to vector<1xi32>
    %squeeze3A_948 = vector.extract %slice3A_947[0] : i32 from vector<1xi32>
    %multiple_of3A_949 = tpu.assume_multiple %squeeze3A_948, 128 : i32
    %dma_start3A_950 = arith.constant 58 : i32
    %dma_start3A_951 = arith.constant 0 : i32
    %dma_start3A_952 = arith.constant 0 : i32
    %dma_start3A_953 = tpu.memref_slice %arg6[%dma_start3A_950, %dma_start3A_951, %dma_start3A_952] : memref<64x8x128xf32, #tpu.memory_space<vmem>> -> memref<1x8x128xf32, #tpu.memory_space<vmem>>
    %dma_start3A_954 = tpu.memref_squeeze %dma_start3A_953 : memref<1x8x128xf32, #tpu.memory_space<vmem>> -> memref<8x128xf32, #tpu.memory_space<vmem>>
    %dma_start3A_955 = tpu.memref_slice %arg2[%add3A_946, %multiple_of3A_949] : memref<2048x32000xf32, #tpu.memory_space<hbm>> -> memref<8x128xf32, #tpu.memory_space<hbm>>
    %dma_start3A_956 = arith.constant 0 : i32
    %dma_start3A_957 = arith.constant 0 : i32
    %dma_start3A_958 = tpu.memref_slice %arg6[%dma_start3A_950, %dma_start3A_956, %dma_start3A_957] : memref<64x8x128xf32, #tpu.memory_space<vmem>> -> memref<1x8x128xf32, #tpu.memory_space<vmem>>
    %dma_start3A_959 = tpu.memref_squeeze %dma_start3A_958 : memref<1x8x128xf32, #tpu.memory_space<vmem>> -> memref<8x128xf32, #tpu.memory_space<vmem>>
    %dma_start3A_960 = tpu.memref_slice %arg2[%add3A_946, %multiple_of3A_949] : memref<2048x32000xf32, #tpu.memory_space<hbm>> -> memref<8x128xf32, #tpu.memory_space<hbm>>
    tpu.enqueue_dma source(%dma_start3A_960 : memref<8x128xf32, #tpu.memory_space<hbm>>) target(%dma_start3A_959 : memref<8x128xf32, #tpu.memory_space<vmem>>) target_semaphore(%arg8 : memref<!tpu.dma_semaphore, #tpu.memory_space<semaphore_mem>>)
    %add3A_961 = arith.constant 56 : i32
    %add3A_962 = arith.addi %mul3A_2, %add3A_961 : i32
    %slice3A_963 = vector.extract_strided_slice %and3A_784 {offsets = [11], sizes = [1], strides = [1]} : vector<16xi32> to vector<1xi32>
    %squeeze3A_964 = vector.extract %slice3A_963[0] : i32 from vector<1xi32>
    %multiple_of3A_965 = tpu.assume_multiple %squeeze3A_964, 128 : i32
    %dma_start3A_966 = arith.constant 59 : i32
    %dma_start3A_967 = arith.constant 0 : i32
    %dma_start3A_968 = arith.constant 0 : i32
    %dma_start3A_969 = tpu.memref_slice %arg6[%dma_start3A_966, %dma_start3A_967, %dma_start3A_968] : memref<64x8x128xf32, #tpu.memory_space<vmem>> -> memref<1x8x128xf32, #tpu.memory_space<vmem>>
    %dma_start3A_970 = tpu.memref_squeeze %dma_start3A_969 : memref<1x8x128xf32, #tpu.memory_space<vmem>> -> memref<8x128xf32, #tpu.memory_space<vmem>>
    %dma_start3A_971 = tpu.memref_slice %arg2[%add3A_962, %multiple_of3A_965] : memref<2048x32000xf32, #tpu.memory_space<hbm>> -> memref<8x128xf32, #tpu.memory_space<hbm>>
    %dma_start3A_972 = arith.constant 0 : i32
    %dma_start3A_973 = arith.constant 0 : i32
    %dma_start3A_974 = tpu.memref_slice %arg6[%dma_start3A_966, %dma_start3A_972, %dma_start3A_973] : memref<64x8x128xf32, #tpu.memory_space<vmem>> -> memref<1x8x128xf32, #tpu.memory_space<vmem>>
    %dma_start3A_975 = tpu.memref_squeeze %dma_start3A_974 : memref<1x8x128xf32, #tpu.memory_space<vmem>> -> memref<8x128xf32, #tpu.memory_space<vmem>>
    %dma_start3A_976 = tpu.memref_slice %arg2[%add3A_962, %multiple_of3A_965] : memref<2048x32000xf32, #tpu.memory_space<hbm>> -> memref<8x128xf32, #tpu.memory_space<hbm>>
    tpu.enqueue_dma source(%dma_start3A_976 : memref<8x128xf32, #tpu.memory_space<hbm>>) target(%dma_start3A_975 : memref<8x128xf32, #tpu.memory_space<vmem>>) target_semaphore(%arg8 : memref<!tpu.dma_semaphore, #tpu.memory_space<semaphore_mem>>)
    %add3A_977 = arith.constant 56 : i32
    %add3A_978 = arith.addi %mul3A_2, %add3A_977 : i32
    %slice3A_979 = vector.extract_strided_slice %and3A_784 {offsets = [12], sizes = [1], strides = [1]} : vector<16xi32> to vector<1xi32>
    %squeeze3A_980 = vector.extract %slice3A_979[0] : i32 from vector<1xi32>
    %multiple_of3A_981 = tpu.assume_multiple %squeeze3A_980, 128 : i32
    %dma_start3A_982 = arith.constant 60 : i32
    %dma_start3A_983 = arith.constant 0 : i32
    %dma_start3A_984 = arith.constant 0 : i32
    %dma_start3A_985 = tpu.memref_slice %arg6[%dma_start3A_982, %dma_start3A_983, %dma_start3A_984] : memref<64x8x128xf32, #tpu.memory_space<vmem>> -> memref<1x8x128xf32, #tpu.memory_space<vmem>>
    %dma_start3A_986 = tpu.memref_squeeze %dma_start3A_985 : memref<1x8x128xf32, #tpu.memory_space<vmem>> -> memref<8x128xf32, #tpu.memory_space<vmem>>
    %dma_start3A_987 = tpu.memref_slice %arg2[%add3A_978, %multiple_of3A_981] : memref<2048x32000xf32, #tpu.memory_space<hbm>> -> memref<8x128xf32, #tpu.memory_space<hbm>>
    %dma_start3A_988 = arith.constant 0 : i32
    %dma_start3A_989 = arith.constant 0 : i32
    %dma_start3A_990 = tpu.memref_slice %arg6[%dma_start3A_982, %dma_start3A_988, %dma_start3A_989] : memref<64x8x128xf32, #tpu.memory_space<vmem>> -> memref<1x8x128xf32, #tpu.memory_space<vmem>>
    %dma_start3A_991 = tpu.memref_squeeze %dma_start3A_990 : memref<1x8x128xf32, #tpu.memory_space<vmem>> -> memref<8x128xf32, #tpu.memory_space<vmem>>
    %dma_start3A_992 = tpu.memref_slice %arg2[%add3A_978, %multiple_of3A_981] : memref<2048x32000xf32, #tpu.memory_space<hbm>> -> memref<8x128xf32, #tpu.memory_space<hbm>>
    tpu.enqueue_dma source(%dma_start3A_992 : memref<8x128xf32, #tpu.memory_space<hbm>>) target(%dma_start3A_991 : memref<8x128xf32, #tpu.memory_space<vmem>>) target_semaphore(%arg8 : memref<!tpu.dma_semaphore, #tpu.memory_space<semaphore_mem>>)
    %add3A_993 = arith.constant 56 : i32
    %add3A_994 = arith.addi %mul3A_2, %add3A_993 : i32
    %slice3A_995 = vector.extract_strided_slice %and3A_784 {offsets = [13], sizes = [1], strides = [1]} : vector<16xi32> to vector<1xi32>
    %squeeze3A_996 = vector.extract %slice3A_995[0] : i32 from vector<1xi32>
    %multiple_of3A_997 = tpu.assume_multiple %squeeze3A_996, 128 : i32
    %dma_start3A_998 = arith.constant 61 : i32
    %dma_start3A_999 = arith.constant 0 : i32
    %dma_start3A_1000 = arith.constant 0 : i32
    %dma_start3A_1001 = tpu.memref_slice %arg6[%dma_start3A_998, %dma_start3A_999, %dma_start3A_1000] : memref<64x8x128xf32, #tpu.memory_space<vmem>> -> memref<1x8x128xf32, #tpu.memory_space<vmem>>
    %dma_start3A_1002 = tpu.memref_squeeze %dma_start3A_1001 : memref<1x8x128xf32, #tpu.memory_space<vmem>> -> memref<8x128xf32, #tpu.memory_space<vmem>>
    %dma_start3A_1003 = tpu.memref_slice %arg2[%add3A_994, %multiple_of3A_997] : memref<2048x32000xf32, #tpu.memory_space<hbm>> -> memref<8x128xf32, #tpu.memory_space<hbm>>
    %dma_start3A_1004 = arith.constant 0 : i32
    %dma_start3A_1005 = arith.constant 0 : i32
    %dma_start3A_1006 = tpu.memref_slice %arg6[%dma_start3A_998, %dma_start3A_1004, %dma_start3A_1005] : memref<64x8x128xf32, #tpu.memory_space<vmem>> -> memref<1x8x128xf32, #tpu.memory_space<vmem>>
    %dma_start3A_1007 = tpu.memref_squeeze %dma_start3A_1006 : memref<1x8x128xf32, #tpu.memory_space<vmem>> -> memref<8x128xf32, #tpu.memory_space<vmem>>
    %dma_start3A_1008 = tpu.memref_slice %arg2[%add3A_994, %multiple_of3A_997] : memref<2048x32000xf32, #tpu.memory_space<hbm>> -> memref<8x128xf32, #tpu.memory_space<hbm>>
    tpu.enqueue_dma source(%dma_start3A_1008 : memref<8x128xf32, #tpu.memory_space<hbm>>) target(%dma_start3A_1007 : memref<8x128xf32, #tpu.memory_space<vmem>>) target_semaphore(%arg8 : memref<!tpu.dma_semaphore, #tpu.memory_space<semaphore_mem>>)
    %add3A_1009 = arith.constant 56 : i32
    %add3A_1010 = arith.addi %mul3A_2, %add3A_1009 : i32
    %slice3A_1011 = vector.extract_strided_slice %and3A_784 {offsets = [14], sizes = [1], strides = [1]} : vector<16xi32> to vector<1xi32>
    %squeeze3A_1012 = vector.extract %slice3A_1011[0] : i32 from vector<1xi32>
    %multiple_of3A_1013 = tpu.assume_multiple %squeeze3A_1012, 128 : i32
    %dma_start3A_1014 = arith.constant 62 : i32
    %dma_start3A_1015 = arith.constant 0 : i32
    %dma_start3A_1016 = arith.constant 0 : i32
    %dma_start3A_1017 = tpu.memref_slice %arg6[%dma_start3A_1014, %dma_start3A_1015, %dma_start3A_1016] : memref<64x8x128xf32, #tpu.memory_space<vmem>> -> memref<1x8x128xf32, #tpu.memory_space<vmem>>
    %dma_start3A_1018 = tpu.memref_squeeze %dma_start3A_1017 : memref<1x8x128xf32, #tpu.memory_space<vmem>> -> memref<8x128xf32, #tpu.memory_space<vmem>>
    %dma_start3A_1019 = tpu.memref_slice %arg2[%add3A_1010, %multiple_of3A_1013] : memref<2048x32000xf32, #tpu.memory_space<hbm>> -> memref<8x128xf32, #tpu.memory_space<hbm>>
    %dma_start3A_1020 = arith.constant 0 : i32
    %dma_start3A_1021 = arith.constant 0 : i32
    %dma_start3A_1022 = tpu.memref_slice %arg6[%dma_start3A_1014, %dma_start3A_1020, %dma_start3A_1021] : memref<64x8x128xf32, #tpu.memory_space<vmem>> -> memref<1x8x128xf32, #tpu.memory_space<vmem>>
    %dma_start3A_1023 = tpu.memref_squeeze %dma_start3A_1022 : memref<1x8x128xf32, #tpu.memory_space<vmem>> -> memref<8x128xf32, #tpu.memory_space<vmem>>
    %dma_start3A_1024 = tpu.memref_slice %arg2[%add3A_1010, %multiple_of3A_1013] : memref<2048x32000xf32, #tpu.memory_space<hbm>> -> memref<8x128xf32, #tpu.memory_space<hbm>>
    tpu.enqueue_dma source(%dma_start3A_1024 : memref<8x128xf32, #tpu.memory_space<hbm>>) target(%dma_start3A_1023 : memref<8x128xf32, #tpu.memory_space<vmem>>) target_semaphore(%arg8 : memref<!tpu.dma_semaphore, #tpu.memory_space<semaphore_mem>>)
    %add3A_1025 = arith.constant 56 : i32
    %add3A_1026 = arith.addi %mul3A_2, %add3A_1025 : i32
    %slice3A_1027 = vector.extract_strided_slice %and3A_784 {offsets = [15], sizes = [1], strides = [1]} : vector<16xi32> to vector<1xi32>
    %squeeze3A_1028 = vector.extract %slice3A_1027[0] : i32 from vector<1xi32>
    %multiple_of3A_1029 = tpu.assume_multiple %squeeze3A_1028, 128 : i32
    %dma_start3A_1030 = arith.constant 63 : i32
    %dma_start3A_1031 = arith.constant 0 : i32
    %dma_start3A_1032 = arith.constant 0 : i32
    %dma_start3A_1033 = tpu.memref_slice %arg6[%dma_start3A_1030, %dma_start3A_1031, %dma_start3A_1032] : memref<64x8x128xf32, #tpu.memory_space<vmem>> -> memref<1x8x128xf32, #tpu.memory_space<vmem>>
    %dma_start3A_1034 = tpu.memref_squeeze %dma_start3A_1033 : memref<1x8x128xf32, #tpu.memory_space<vmem>> -> memref<8x128xf32, #tpu.memory_space<vmem>>
    %dma_start3A_1035 = tpu.memref_slice %arg2[%add3A_1026, %multiple_of3A_1029] : memref<2048x32000xf32, #tpu.memory_space<hbm>> -> memref<8x128xf32, #tpu.memory_space<hbm>>
    %dma_start3A_1036 = arith.constant 0 : i32
    %dma_start3A_1037 = arith.constant 0 : i32
    %dma_start3A_1038 = tpu.memref_slice %arg6[%dma_start3A_1030, %dma_start3A_1036, %dma_start3A_1037] : memref<64x8x128xf32, #tpu.memory_space<vmem>> -> memref<1x8x128xf32, #tpu.memory_space<vmem>>
    %dma_start3A_1039 = tpu.memref_squeeze %dma_start3A_1038 : memref<1x8x128xf32, #tpu.memory_space<vmem>> -> memref<8x128xf32, #tpu.memory_space<vmem>>
    %dma_start3A_1040 = tpu.memref_slice %arg2[%add3A_1026, %multiple_of3A_1029] : memref<2048x32000xf32, #tpu.memory_space<hbm>> -> memref<8x128xf32, #tpu.memory_space<hbm>>
    tpu.enqueue_dma source(%dma_start3A_1040 : memref<8x128xf32, #tpu.memory_space<hbm>>) target(%dma_start3A_1039 : memref<8x128xf32, #tpu.memory_space<vmem>>) target_semaphore(%arg8 : memref<!tpu.dma_semaphore, #tpu.memory_space<semaphore_mem>>)
    %scan3A = arith.constant 0 : i32
    %scan3A_1041 = arith.constant 0 : i32
    %scan3A_1042 = arith.constant 64 : i32
    %scan3A_1043 = arith.addi %scan3A_1041, %scan3A_1042 : i32
    %scan3A_1044 = arith.constant 1 : i32
    scf.for %scan3A_1135 = %scan3A_1041 to %scan3A_1043 step %scan3A_1044  : i32 {
      %dma_wait3A = arith.constant 0 : i32
      %dma_wait3A_1136 = arith.constant 0 : i32
      %dma_wait3A_1137 = tpu.memref_slice %arg6[%scan3A_1135, %dma_wait3A, %dma_wait3A_1136] : memref<64x8x128xf32, #tpu.memory_space<vmem>> -> memref<1x8x128xf32, #tpu.memory_space<vmem>>
      %dma_wait3A_1138 = tpu.memref_squeeze %dma_wait3A_1137 : memref<1x8x128xf32, #tpu.memory_space<vmem>> -> memref<8x128xf32, #tpu.memory_space<vmem>>
      %dma_wait3A_1139 = arith.constant 0 : i32
      %dma_wait3A_1140 = arith.constant 0 : i32
      %dma_wait3A_1141 = tpu.memref_slice %arg2[%dma_wait3A_1139, %dma_wait3A_1140] : memref<2048x32000xf32, #tpu.memory_space<hbm>> -> memref<8x128xf32, #tpu.memory_space<hbm>>
      %dma_wait3A_1142 = arith.constant 0 : i32
      %dma_wait3A_1143 = arith.constant 0 : i32
      %dma_wait3A_1144 = tpu.memref_slice %arg6[%scan3A_1135, %dma_wait3A_1142, %dma_wait3A_1143] : memref<64x8x128xf32, #tpu.memory_space<vmem>> -> memref<1x8x128xf32, #tpu.memory_space<vmem>>
      %dma_wait3A_1145 = tpu.memref_squeeze %dma_wait3A_1144 : memref<1x8x128xf32, #tpu.memory_space<vmem>> -> memref<8x128xf32, #tpu.memory_space<vmem>>
      %dma_wait3A_1146 = arith.constant 0 : i32
      %dma_wait3A_1147 = arith.constant 0 : i32
      %dma_wait3A_1148 = tpu.memref_slice %arg2[%dma_wait3A_1146, %dma_wait3A_1147] : memref<2048x32000xf32, #tpu.memory_space<hbm>> -> memref<8x128xf32, #tpu.memory_space<hbm>>
      tpu.wait_dma2 semaphore(%arg8 : memref<!tpu.dma_semaphore, #tpu.memory_space<semaphore_mem>>) src(%dma_wait3A_1148 : memref<8x128xf32, #tpu.memory_space<hbm>>) dst(%dma_wait3A_1145 : memref<8x128xf32, #tpu.memory_space<vmem>>)
    }
    %scan3A_1045 = arith.constant 64 : i32
    %broadcast_in_dim3A = arith.constant 0.000000e+00 : f32
    %broadcast_in_dim3A_1046 = vector.broadcast %broadcast_in_dim3A : f32 to vector<16xf32>
    %get3A_1047 = arith.constant 0 : index
    %get3A_1048 = tpu.vector_load %arg5[%get3A_1047] {strides = array<i32>} : memref<64xi32, #tpu.memory_space<vmem>>, vector<16xi32>,
    %iota3A = tpu.iota {dimensions = array<i32: 0>} : vector<16xi32>
    %add3A_1049 = arith.constant 0 : i32
    %add3A_1050 = vector.broadcast %add3A_1049 : i32 to vector<16xi32>
    %add3A_1051 = arith.addi %add3A_1050, %iota3A : vector<16xi32>
    %and3A_1052 = arith.constant 7 : i32
    %and3A_1053 = vector.broadcast %and3A_1052 : i32 to vector<16xi32>
    %and3A_1054 = arith.andi %add3A_1051, %and3A_1053 : vector<16xi32>
    %and3A_1055 = arith.constant 127 : i32
    %and3A_1056 = vector.broadcast %and3A_1055 : i32 to vector<16xi32>
    %and3A_1057 = arith.andi %get3A_1048, %and3A_1056 : vector<16xi32>
    %gather3A = tpu.vector_load_idx %arg6[%add3A_1051, %and3A_1054, %and3A_1057] : memref<64x8x128xf32, #tpu.memory_space<vmem>>[vector<16xi32>, vector<16xi32>, vector<16xi32>], vector<16xf32>,
    %ne3A = arith.constant 0 : i32
    %ne3A_1058 = vector.broadcast %ne3A : i32 to vector<16xi32>
    %ne3A_1059 = arith.cmpi ne, %get3A_1048, %ne3A_1058 : vector<16xi32>
    %mul3A_1060 = arith.constant -0.899996876 : f32
    %mul3A_1061 = vector.broadcast %mul3A_1060 : f32 to vector<16xf32>
    %mul3A_1062 = arith.mulf %gather3A, %mul3A_1061 : vector<16xf32>
    %jit3A = arith.constant 0.000000e+00 : f32
    %broadcast_in_dim3A_1063 = vector.broadcast %jit3A : f32 to vector<16xf32>
    %select_n3A = arith.select %ne3A_1059, %mul3A_1062, %broadcast_in_dim3A_1063 : vector<16xi1>, vector<16xf32>
    %add3A_1064 = arith.addf %broadcast_in_dim3A_1046, %select_n3A : vector<16xf32>
    %get3A_1065 = arith.constant 16 : index
    %get3A_1066 = tpu.vector_load %arg5[%get3A_1065] {strides = array<i32>} : memref<64xi32, #tpu.memory_space<vmem>>, vector<16xi32>,
    %iota3A_1067 = tpu.iota {dimensions = array<i32: 0>} : vector<16xi32>
    %add3A_1068 = arith.constant 16 : i32
    %add3A_1069 = vector.broadcast %add3A_1068 : i32 to vector<16xi32>
    %add3A_1070 = arith.addi %add3A_1069, %iota3A_1067 : vector<16xi32>
    %and3A_1071 = arith.constant 7 : i32
    %and3A_1072 = vector.broadcast %and3A_1071 : i32 to vector<16xi32>
    %and3A_1073 = arith.andi %add3A_1070, %and3A_1072 : vector<16xi32>
    %and3A_1074 = arith.constant 127 : i32
    %and3A_1075 = vector.broadcast %and3A_1074 : i32 to vector<16xi32>
    %and3A_1076 = arith.andi %get3A_1066, %and3A_1075 : vector<16xi32>
    %gather3A_1077 = tpu.vector_load_idx %arg6[%add3A_1070, %and3A_1073, %and3A_1076] : memref<64x8x128xf32, #tpu.memory_space<vmem>>[vector<16xi32>, vector<16xi32>, vector<16xi32>], vector<16xf32>,
    %ne3A_1078 = arith.constant 0 : i32
    %ne3A_1079 = vector.broadcast %ne3A_1078 : i32 to vector<16xi32>
    %ne3A_1080 = arith.cmpi ne, %get3A_1066, %ne3A_1079 : vector<16xi32>
    %mul3A_1081 = arith.constant -0.899996876 : f32
    %mul3A_1082 = vector.broadcast %mul3A_1081 : f32 to vector<16xf32>
    %mul3A_1083 = arith.mulf %gather3A_1077, %mul3A_1082 : vector<16xf32>
    %jit3A_1084 = arith.constant 0.000000e+00 : f32
    %broadcast_in_dim3A_1085 = vector.broadcast %jit3A_1084 : f32 to vector<16xf32>
    %select_n3A_1086 = arith.select %ne3A_1080, %mul3A_1083, %broadcast_in_dim3A_1085 : vector<16xi1>, vector<16xf32>
    %add3A_1087 = arith.addf %add3A_1064, %select_n3A_1086 : vector<16xf32>
    %get3A_1088 = arith.constant 32 : index
    %get3A_1089 = tpu.vector_load %arg5[%get3A_1088] {strides = array<i32>} : memref<64xi32, #tpu.memory_space<vmem>>, vector<16xi32>,
    %iota3A_1090 = tpu.iota {dimensions = array<i32: 0>} : vector<16xi32>
    %add3A_1091 = arith.constant 32 : i32
    %add3A_1092 = vector.broadcast %add3A_1091 : i32 to vector<16xi32>
    %add3A_1093 = arith.addi %add3A_1092, %iota3A_1090 : vector<16xi32>
    %and3A_1094 = arith.constant 7 : i32
    %and3A_1095 = vector.broadcast %and3A_1094 : i32 to vector<16xi32>
    %and3A_1096 = arith.andi %add3A_1093, %and3A_1095 : vector<16xi32>
    %and3A_1097 = arith.constant 127 : i32
    %and3A_1098 = vector.broadcast %and3A_1097 : i32 to vector<16xi32>
    %and3A_1099 = arith.andi %get3A_1089, %and3A_1098 : vector<16xi32>
    %gather3A_1100 = tpu.vector_load_idx %arg6[%add3A_1093, %and3A_1096, %and3A_1099] : memref<64x8x128xf32, #tpu.memory_space<vmem>>[vector<16xi32>, vector<16xi32>, vector<16xi32>], vector<16xf32>,
    %ne3A_1101 = arith.constant 0 : i32
    %ne3A_1102 = vector.broadcast %ne3A_1101 : i32 to vector<16xi32>
    %ne3A_1103 = arith.cmpi ne, %get3A_1089, %ne3A_1102 : vector<16xi32>
    %mul3A_1104 = arith.constant -0.899996876 : f32
    %mul3A_1105 = vector.broadcast %mul3A_1104 : f32 to vector<16xf32>
    %mul3A_1106 = arith.mulf %gather3A_1100, %mul3A_1105 : vector<16xf32>
    %jit3A_1107 = arith.constant 0.000000e+00 : f32
    %broadcast_in_dim3A_1108 = vector.broadcast %jit3A_1107 : f32 to vector<16xf32>
    %select_n3A_1109 = arith.select %ne3A_1103, %mul3A_1106, %broadcast_in_dim3A_1108 : vector<16xi1>, vector<16xf32>
    %add3A_1110 = arith.addf %add3A_1087, %select_n3A_1109 : vector<16xf32>
    %get3A_1111 = arith.constant 48 : index
    %get3A_1112 = tpu.vector_load %arg5[%get3A_1111] {strides = array<i32>} : memref<64xi32, #tpu.memory_space<vmem>>, vector<16xi32>,
    %iota3A_1113 = tpu.iota {dimensions = array<i32: 0>} : vector<16xi32>
    %add3A_1114 = arith.constant 48 : i32
    %add3A_1115 = vector.broadcast %add3A_1114 : i32 to vector<16xi32>
    %add3A_1116 = arith.addi %add3A_1115, %iota3A_1113 : vector<16xi32>
    %and3A_1117 = arith.constant 7 : i32
    %and3A_1118 = vector.broadcast %and3A_1117 : i32 to vector<16xi32>
    %and3A_1119 = arith.andi %add3A_1116, %and3A_1118 : vector<16xi32>
    %and3A_1120 = arith.constant 127 : i32
    %and3A_1121 = vector.broadcast %and3A_1120 : i32 to vector<16xi32>
    %and3A_1122 = arith.andi %get3A_1112, %and3A_1121 : vector<16xi32>
    %gather3A_1123 = tpu.vector_load_idx %arg6[%add3A_1116, %and3A_1119, %and3A_1122] : memref<64x8x128xf32, #tpu.memory_space<vmem>>[vector<16xi32>, vector<16xi32>, vector<16xi32>], vector<16xf32>,
    %ne3A_1124 = arith.constant 0 : i32
    %ne3A_1125 = vector.broadcast %ne3A_1124 : i32 to vector<16xi32>
    %ne3A_1126 = arith.cmpi ne, %get3A_1112, %ne3A_1125 : vector<16xi32>
    %mul3A_1127 = arith.constant -0.899996876 : f32
    %mul3A_1128 = vector.broadcast %mul3A_1127 : f32 to vector<16xf32>
    %mul3A_1129 = arith.mulf %gather3A_1123, %mul3A_1128 : vector<16xf32>
    %jit3A_1130 = arith.constant 0.000000e+00 : f32
    %broadcast_in_dim3A_1131 = vector.broadcast %jit3A_1130 : f32 to vector<16xf32>
    %select_n3A_1132 = arith.select %ne3A_1126, %mul3A_1129, %broadcast_in_dim3A_1131 : vector<16xi1>, vector<16xf32>
    %add3A_1133 = arith.addf %add3A_1110, %select_n3A_1132 : vector<16xf32>
    %swap3A = arith.constant 0 : index
    %swap3A_1134 = tpu.vector_load %arg7[%swap3A] {strides = array<i32>} : memref<16xf32, #tpu.memory_space<vmem>>, vector<16xf32>,
    tpu.vector_store %arg7[%swap3A], %add3A_1133 {strides = array<i32>} : memref<16xf32, #tpu.memory_space<vmem>>, vector<16xf32>,
    "tpu.region"() ({
      %run_scoped3A = tpu.sem_alloc : memref<!tpu.dma_semaphore, #tpu.memory_space<semaphore_mem>>
      %dma_start3A_1135 = arith.constant 0 : i32
      %dma_start3A_1136 = tpu.memref_slice %arg4[%add3A, %dma_start3A_1135] : memref<32x16xf32, #tpu.memory_space<hbm>> -> memref<1x16xf32, #tpu.memory_space<hbm>>
      %dma_start3A_1137 = tpu.memref_squeeze %dma_start3A_1136 : memref<1x16xf32, #tpu.memory_space<hbm>> -> memref<16xf32, #tpu.memory_space<hbm>>
      %dma_start3A_1138 = arith.constant 0 : i32
      %dma_start3A_1139 = tpu.memref_slice %arg4[%add3A, %dma_start3A_1138] : memref<32x16xf32, #tpu.memory_space<hbm>> -> memref<1x16xf32, #tpu.memory_space<hbm>>
      %dma_start3A_1140 = tpu.memref_squeeze %dma_start3A_1139 : memref<1x16xf32, #tpu.memory_space<hbm>> -> memref<16xf32, #tpu.memory_space<hbm>>
      tpu.enqueue_dma source(%arg7 : memref<16xf32, #tpu.memory_space<vmem>>) target(%dma_start3A_1140 : memref<16xf32, #tpu.memory_space<hbm>>) target_semaphore(%run_scoped3A : memref<!tpu.dma_semaphore, #tpu.memory_space<semaphore_mem>>)
      %dma_wait3A = arith.constant 0 : i32
      %dma_wait3A_1141 = tpu.memref_slice %arg4[%add3A, %dma_wait3A] : memref<32x16xf32, #tpu.memory_space<hbm>> -> memref<1x16xf32, #tpu.memory_space<hbm>>
      %dma_wait3A_1142 = tpu.memref_squeeze %dma_wait3A_1141 : memref<1x16xf32, #tpu.memory_space<hbm>> -> memref<16xf32, #tpu.memory_space<hbm>>
      %dma_wait3A_1143 = arith.constant 0 : i32
      %dma_wait3A_1144 = tpu.memref_slice %arg4[%add3A, %dma_wait3A_1143] : memref<32x16xf32, #tpu.memory_space<hbm>> -> memref<1x16xf32, #tpu.memory_space<hbm>>
      %dma_wait3A_1145 = tpu.memref_squeeze %dma_wait3A_1144 : memref<1x16xf32, #tpu.memory_space<hbm>> -> memref<16xf32, #tpu.memory_space<hbm>>
      tpu.wait_dma2 semaphore(%run_scoped3A : memref<!tpu.dma_semaphore, #tpu.memory_space<semaphore_mem>>) src(%arg7 : memref<16xf32, #tpu.memory_space<vmem>>) dst(%dma_wait3A_1145 : memref<16xf32, #tpu.memory_space<hbm>>)
      tpu.yield
    }) : () -> ()
    return
  }
}

module attributes {stable_mosaic.version = 14 : i64} {
  func.func @_tc_body(%arg0: i32, %arg1: memref<128x32000xf32, #tpu.memory_space<vmem>>, %arg2: memref<1x1x128xi32, #tpu.memory_space<vmem>>, %arg3: memref<1x1xf32, #tpu.memory_space<vmem>>) attributes {dimension_semantics = [#tpu.dimension_semantics<arbitrary>], iteration_bounds = array<i64: 16>, scalar_prefetch = 0 : i64, scratch_operands = 0 : i64, tpu.core_type = #tpu.core_type<tc>, window_params = [{transform_indices = @transform_0, window_bounds = array<i64: 128, 32000>}, {transform_indices = @transform_1, window_bounds = array<i64: 1, 1, 128>}, {pipeline_mode = #tpu.pipeline_mode<synchronous>, transform_indices = @transform_2, window_bounds = array<i64: 1, 1>}]} {
    %get3A = arith.constant 0 : index
    %get3A_0 = arith.constant 0 : index
    %get3A_1 = vector.load %arg1[%get3A, %get3A_0] : memref<128x32000xf32, #tpu.memory_space<vmem>>, vector<128x32000xf32>
    %get3A_2 = arith.constant 0 : index
    %get3A_3 = arith.constant 0 : index
    %get3A_4 = arith.constant 0 : index
    %get3A_5 = vector.load %arg2[%get3A_2, %get3A_3, %get3A_4] : memref<1x1x128xi32, #tpu.memory_space<vmem>>, vector<1x1x128xi32>
    %get3A_6 = vector.shape_cast %get3A_5 : vector<1x1x128xi32> to vector<128xi32>
    %reduce_sum3A = arith.constant dense<0.000000e+00> : vector<128xf32>
    %reduce_sum3A_7 = vector.multi_reduction <add>, %get3A_1, %reduce_sum3A [1] : vector<128x32000xf32> to vector<128xf32>
    %slice3A = vector.extract_strided_slice %get3A_1 {offsets = [0, 0], sizes = [128, 1], strides = [1, 1]} : vector<128x32000xf32> to vector<128x1xf32>
    %squeeze3A = vector.shape_cast %slice3A : vector<128x1xf32> to vector<128xf32>
    %ne3A = arith.constant 0 : i32
    %ne3A_8 = vector.broadcast %ne3A : i32 to vector<128xi32>
    %ne3A_9 = arith.cmpi ne, %get3A_6, %ne3A_8 : vector<128xi32>
    %sub3A = arith.subf %reduce_sum3A_7, %squeeze3A : vector<128xf32>
    %mul3A = arith.constant 3.12519524E-6 : f32
    %mul3A_10 = vector.broadcast %mul3A : f32 to vector<128xf32>
    %mul3A_11 = arith.mulf %mul3A_10, %sub3A : vector<128xf32>
    %sub3A_12 = arith.constant -1.3624258 : f32
    %sub3A_13 = vector.broadcast %sub3A_12 : f32 to vector<128xf32>
    %sub3A_14 = arith.subf %sub3A_13, %mul3A_11 : vector<128xf32>
    %jit3A = arith.constant 0.000000e+00 : f32
    %broadcast_in_dim3A = vector.broadcast %jit3A : f32 to vector<128xf32>
    %select_n3A = arith.select %ne3A_9, %sub3A_14, %broadcast_in_dim3A : vector<128xi1>, vector<128xf32>
    %reduce_sum3A_15 = vector.shape_cast %select_n3A : vector<128xf32> to vector<1x128xf32>
    %reduce_sum3A_16 = arith.constant dense<0.000000e+00> : vector<1xf32>
    %reduce_sum3A_17 = vector.multi_reduction <add>, %reduce_sum3A_15, %reduce_sum3A_16 [1] : vector<1x128xf32> to vector<1xf32>
    %reduce_sum3A_18 = vector.shape_cast %reduce_sum3A_17 : vector<1xf32> to vector<1x1xf32>
    %reduce_sum3A_19 = vector.extract %reduce_sum3A_18[0, 0] : f32 from vector<1x1xf32>
    %reshape3A = vector.broadcast %reduce_sum3A_19 : f32 to vector<1x1xf32>
    %eq3A = arith.constant 0 : i32
    %eq3A_20 = arith.cmpi eq, %arg0, %eq3A : i32
    %convert_element_type3A = arith.extui %eq3A_20 : i1 to i32
    %cond3A = arith.constant 0 : i32
    %cond3A_21 = arith.cmpi ne, %convert_element_type3A, %cond3A : i32
    scf.if %cond3A_21 {
      %broadcast_in_dim3A_27 = arith.constant 0.000000e+00 : f32
      %broadcast_in_dim3A_28 = vector.broadcast %broadcast_in_dim3A_27 : f32 to vector<1x1xf32>
      %swap3A_29 = arith.constant 0 : index
      %swap3A_30 = arith.constant 0 : index
      %swap3A_31 = vector.load %arg3[%swap3A_29, %swap3A_30] : memref<1x1xf32, #tpu.memory_space<vmem>>, vector<1x1xf32>
      tpu.vector_store %arg3[%swap3A_29, %swap3A_30], %broadcast_in_dim3A_28 {strides = array<i32>} : memref<1x1xf32, #tpu.memory_space<vmem>>, vector<1x1xf32>,
    } else {
    }
    %get3A_22 = arith.constant 0 : index
    %get3A_23 = arith.constant 0 : index
    %get3A_24 = vector.load %arg3[%get3A_22, %get3A_23] : memref<1x1xf32, #tpu.memory_space<vmem>>, vector<1x1xf32>
    %add3A = arith.addf %get3A_24, %reshape3A : vector<1x1xf32>
    %swap3A = arith.constant 0 : index
    %swap3A_25 = arith.constant 0 : index
    %swap3A_26 = vector.load %arg3[%swap3A, %swap3A_25] : memref<1x1xf32, #tpu.memory_space<vmem>>, vector<1x1xf32>
    tpu.vector_store %arg3[%swap3A, %swap3A_25], %add3A {strides = array<i32>} : memref<1x1xf32, #tpu.memory_space<vmem>>, vector<1x1xf32>,
    return
  }
  func.func @transform_0(%arg0: i32) -> (i32, i32) {
    %c0_i32 = arith.constant 0 : i32
    %c0_i32_0 = arith.constant 0 : i32
    return %arg0, %c0_i32 : i32, i32
  }
  func.func @transform_1(%arg0: i32) -> (i32, i32, i32) {
    %c0_i32 = arith.constant 0 : i32
    %c0_i32_0 = arith.constant 0 : i32
    %c0_i32_1 = arith.constant 0 : i32
    return %arg0, %c0_i32, %c0_i32_0 : i32, i32, i32
  }
  func.func @transform_2(%arg0: i32) -> (i32, i32) {
    %c0_i32 = arith.constant 0 : i32
    %c0_i32_0 = arith.constant 0 : i32
    %c0_i32_1 = arith.constant 0 : i32
    return %c0_i32, %c0_i32_0 : i32, i32
  }
}

</mosaic_0001>

<sc_bundles>
// kernel: kernel.4.cloned.1.call-start
scs
__scs_entry_jumppad:
0x0: {  	(pc) =	sbr.rel $0x88, $3  }
0x1: {  	(tag) =	ssettag $0x0;
	lr =	simm.s32 $0x1  }
0x2: {  	[smem:$0x3F9F] =	sst lr;
	_ =	strace $0xD0000000  }
0x3: {  	_ = 	snop  }
0x4: {  	_ = 	snop  }
0x5: {  	_ = 	snop  }
0x6: {  	_ = 	snop  }
0x7: {  	_ = 	snop  }
__scs_overlays_trampoline_lowered:
0x8: {  	[smem:$0x3FAE] =	sst s0  }
0x9: {  	[smem:$0x3FAF] =	sst s1  }
0xa: {  	[smem:$0x3FB0] =	sst s2  }
0xb: {  	[smem:$0x3FB1] =	sst s3  }
0xc: {  	[smem:$0x3FB2] =	sst s4  }
0xd: {  	[smem:$0x3FB3] =	sst s5  }
0xe: {  	[smem:$0x3FB4] =	sst s6  }
0xf: {  	[smem:$0x3FB5] =	sst s7  }
0x10: {  	[smem:$0x3FB6] =	sst s8  }
0x11: {  	[smem:$0x3FB7] =	sst s9;
	s0 =	simm.s32 @!p0 $0x0  }
0x12: {  	s1 =	sld [smem:$0x3F9D];
	s0 =	simm.s32 @p0 $0x1  }
0x13: {  	[smem:$0x3FB8] =	sst s0;
	s0 =	simm.s32 @!p1 $0x0  }
0x14: {  	s2 =	sld [smem:$0x3F9C];
	s0 =	simm.s32 @p1 $0x1  }
0x15: {  	[smem:$0x3FB9] =	sst s0;
	s0 =	simm.s32 @!p2 $0x0  }
0x16: {  	s3 =	sld [smem:$0x3FDB];
	s0 =	simm.s32 @p2 $0x1  }
0x17: {  	s4 =	simm.s32 $0x1BF5;
	[smem:$0x3FBB] =	sst s0  }
0x18: {  	s0 =	sld [smem:$0x3F9E];
	_ =	swait.ge [sflag:s4], $0x0  }
0x19: {  	s7 =	sld [smem:$0x3F9F]  }
0x1a: {  	s8 =	sadd.s32 $0xFFFFE003, lr  }
0x1b: {  	s9 =	sadd.s32 $0xFFFFFEF7, lr;
	s5 =	simm.s32 $0xFFFFFFFF;
	p2 =	slt.u32 s8, $0xFFFFF086  }
0x1c: {  	p1 =	slt.u32 s9, $0xF7A;
	s5 =	simm.s32 @!p2 $0x0  }
0x1d: {  	s5 =	simm.s32 @p1 $0x1;
	p0 =	seq.s32 s7, s2  }
0x1e: {  	s7 =	smul.u32 @!p0 $0xF7A, s2;
	p2 =	seq.s32 @!p0 s5, $0x0  }
0x1f: {  	s9 =	smul.u32 $0xF7A, s1;
	s8 =	simm.s32 @!p0 $0x1BF5;
	p2 =	por !p2, p0  }
0x20: {  	[sflag:s8] =	ssyncset.s32 @!p0 $0xFFFFF086;
	s6 =	sadd.s32 @!p0 s3, s7;
	s7 =	simm.s32 @!p0 $0x108  }
0x21: {  	s3 =	sadd.s32 s3, s9;
	s6 =	sadd.s32 @!p0 $0x88, s6;
	s7 =	simm.s32 @p2 $0x1082  }
0x22: {  	[simem:s7], [sflag:s8] =	dma.local @!p0 [hbm:s6], $0xF7A  }
0x23: {  	s9 =	sor.u32 $0xD0000000, s2;
	s6 =	simm.s32 $0x108;
	_ =	swait.ge @!p0 [sflag:s8], $0x0  }
0x24: {  	s3 =	sadd.s32 $0x88, s3;
	s6 =	simm.s32 @!p1 $0x1082;
	[sflag:s4] =	ssyncset.s32 $0xFFFFF086  }
0x25: {  	[simem:s6], [sflag:s4] =	dma.local [hbm:s3], $0xF7A  }
0x26: {  	[smem:$0x3F9F] =	sst s1;
	(tag) =	ssettag s2;
	_ =	strace s9  }
0x27: {  	s1 =	sld [smem:$0x3FAF]  }
0x28: {  	s2 =	sld [smem:$0x3FB0]  }
0x29: {  	s4 =	sld [smem:$0x3FB2]  }
0x2a: {  	p0 =	seq.s32 s5, $0x0;
	s5 =	sld [smem:$0x3FB3]  }
0x2b: {  	s6 =	sld [smem:$0x3FB4]  }
0x2c: {  	s7 =	sld [smem:$0x3FB5]  }
0x2d: {  	s3 =	simm.s32 $0x108;
	s8 =	sld [smem:$0x3FB6]  }
0x2e: {  	s3 =	simm.s32 @!p0 $0x1082;
	s9 =	sld [smem:$0x3FB7]  }
0x2f: {  	lr =	sadd.s32 s0, s3;
	s0 =	sld [smem:$0x3FAE]  }
0x30: {  	s3 =	sld [smem:$0x3FB1]  }
0x31: {  	[smem:$0x3FBA] =	sst s10  }
0x32: {  	s10 =	sld [smem:$0x3FB8];
	_ =	sdelay $0x3  }
0x33: {  	p0 =	seq.s32 s10, $0x1;
	s10 =	sld [smem:$0x3FBA];
	_ =	sdelay $0x3  }
0x34: {  	[smem:$0x3FBA] =	sst s10  }
0x35: {  	s10 =	sld [smem:$0x3FB9];
	_ =	sdelay $0x3  }
0x36: {  	p1 =	seq.s32 s10, $0x1;
	s10 =	sld [smem:$0x3FBA];
	_ =	sdelay $0x3  }
0x37: {  	[smem:$0x3FBA] =	sst s10  }
0x38: {  	s10 =	sld [smem:$0x3FBB]  }
0x39: {  	_ = 	snop;
	(pc) =	sbr.ind lr, $3  }
0x3a: {  	_ = 	snop  }
0x3b: {  	_ = 	snop  }
0x3c: {  	p2 =	seq.s32 s10, $0x1;
	s10 =	sld [smem:$0x3FBA]  }
0x3d: {  	_ =	shalt  }
0x3e: {  	_ =	shalt  }
0x3f: {  	_ =	shalt  }
0x40: {  	_ =	shalt  }
0x41: {  	_ =	shalt  }
0x42: {  	_ =	shalt  }
0x43: {  	_ =	shalt  }
0x44: {  	_ =	shalt  }
0x45: {  	_ =	shalt  }
0x46: {  	_ =	shalt  }
0x47: {  	_ =	shalt  }
0x48: {  	_ =	shalt  }
0x49: {  	_ =	shalt  }
0x4a: {  	_ =	shalt  }
0x4b: {  	_ =	shalt  }
0x4c: {  	_ =	shalt  }
0x4d: {  	_ =	shalt  }
0x4e: {  	_ =	shalt  }
0x4f: {  	_ =	shalt  }
0x50: {  	_ =	shalt  }
0x51: {  	_ =	shalt  }
0x52: {  	_ =	shalt  }
0x53: {  	_ =	shalt  }
0x54: {  	_ =	shalt  }
0x55: {  	_ =	shalt  }
0x56: {  	_ =	shalt  }
0x57: {  	_ =	shalt  }
0x58: {  	_ =	shalt  }
0x59: {  	_ =	shalt  }
0x5a: {  	_ =	shalt  }
0x5b: {  	_ =	shalt  }
0x5c: {  	_ =	shalt  }
0x5d: {  	_ =	shalt  }
0x5e: {  	_ =	shalt  }
0x5f: {  	_ =	shalt  }
0x60: {  	_ =	shalt  }
0x61: {  	_ =	shalt  }
0x62: {  	_ =	shalt  }
0x63: {  	_ =	shalt  }
0x64: {  	_ =	shalt  }
0x65: {  	_ =	shalt  }
0x66: {  	_ =	shalt  }
0x67: {  	_ =	shalt  }
0x68: {  	_ =	shalt  }
0x69: {  	_ =	shalt  }
0x6a: {  	_ =	shalt  }
0x6b: {  	_ =	shalt  }
0x6c: {  	_ =	shalt  }
0x6d: {  	_ =	shalt  }
0x6e: {  	_ =	shalt  }
0x6f: {  	_ =	shalt  }
0x70: {  	_ =	shalt  }
0x71: {  	_ =	shalt  }
0x72: {  	_ =	shalt  }
0x73: {  	_ =	shalt  }
0x74: {  	_ =	shalt  }
0x75: {  	_ =	shalt  }
0x76: {  	_ =	shalt  }
0x77: {  	_ =	shalt  }
0x78: {  	_ =	shalt  }
0x79: {  	_ =	shalt  }
0x7a: {  	_ =	shalt  }
0x7b: {  	_ =	shalt  }
0x7c: {  	_ =	shalt  }
0x7d: {  	_ =	shalt  }
0x7e: {  	_ =	shalt  }
0x7f: {  	_ =	shalt  }
0x80: {  	_ =	shalt  }
0x81: {  	_ =	shalt  }
0x82: {  	_ =	shalt  }
0x83: {  	_ =	shalt  }
0x84: {  	_ =	shalt  }
0x85: {  	_ =	shalt  }
0x86: {  	_ =	shalt  }
0x87: {  	_ =	shalt  }
.Lfunc_end0:
.L_simem_size_0:
called_computation_lowered:
.L_overlay_start_0:
0x88: {  	s2 =	sld [smem:$0x3FD9]  }
0x89: {  	s3 =	sld [smem:$0x3FFE];
	_ =	sdelay $0x1  }
0x8a: {  	s1 =	srdreg.scid  }
0x8b: {  	s0 =	sand.u32 $0x1, s1  }
0x8c: {  	s17 =	sshll.u32 s0, $0xA;
	s2 =	sadd.s32 s3, s2  }
0x8d: {  	s2 =	sadd.s32 s2, s17  }
0x8e: {  	[smem:$0x3FC6] =	sst s2  }
0x8f: {  	_ = 	snop  }
0x90: {  	s2 =	sld [smem:$0x3FC9]  }
0x91: {  	s18 =	sld [smem:$0x3FC8];
	(tm) =	ssettm $0x1  }
0x92: {  	s4 =	sld [smem:$0x3FFB];
	_ =	sdelay $0x3  }
0x93: {  	_ =	strace s4  }
0x94: {  	s4 =	sld [smem:$0x3FFC];
	_ =	sdelay $0x3  }
0x95: {  	_ =	strace s4  }
0x96: {  	s4 =	sld [smem:$0x3FFD];
	_ =	sdelay $0x3  }
0x97: {  	_ =	strace s4  }
0x98: {  	_ =	strace $0x8FFFFFFF  }
0x99: {  	s19 =	sld [smem:$0x3FDB];
	_ =	sdelay $0x1  }
0x9a: {  	s5 =	simm.s32 $_scs_section_size  }
0x9b: {  	s6 =	simm.s32 $_size__tile_overlayer_lowered;
	s7 =	simm.s32 $_tile_overlayer_lowered  }
0x9c: {  	s22 =	simm.s32 $0x1BFF;
	s21 =	sshll.u32 s7, $0x1;
	s4 =	sadd.s32 s5, s19  }
0x9d: {  	s8 =	simm.s32 $0x0;
	s20 =	sshll.u32 s6, $0x1;
	s6 =	sadd.s32 s21, s4  }
0x9e: {  	[timem:s8], [sflag:s22] =	dma.local [hbm:s6], s20  }
0x9f: {  	_ =	swait.ge [sflag:s22], s20  }
0xa0: {  	s5 =	ssub.s32 $0x0, s20;
	[sflag:s22] =	ssyncset.done $0x0  }
0xa1: {  	[sflag:s22] =	ssyncadd.s32 s5;
	_ =	sdelay $0x1  }
0xa2: {  	s23 =	simm.s32 $0x1B8B  }
0xa3: {  	_ =	swait.ge [sflag:s23], $0x1  }
0xa4: {  	[sflag:s23] =	ssyncset.done $0x0  }
0xa5: {  	s25 =	simm.s32 $0x1B8E;
	s24 =	sld [smem:$0x3FFE];
	[sflag:s23] =	ssyncadd.s32 $0xFFFFFFFF  }
0xa6: {  	s26 =	simm.s32 $execute0_lowered;
	[smem:$0x3FD2] =	sst s25  }
0xa7: {  	s6 =	sshll.u32 s26, $0x1;
	_ =	strace $0x80000046;
	[dreg:$0x1] =	wrdreg $0xFFFFFFFF  }
0xa8: {  	s28 =	simm.s32 $_size_execute0_lowered;
	s4 =	sadd.s32 s4, s6;
	[dreg:$0x0] =	wrdreg $0x0  }
0xa9: {  	s6 =	sshll.u32 s28, $0x1;
	[dreg:$0x2] =	wrdreg s4  }
0xaa: {  	[dreg:$0x3] =	wrdreg s6  }
0xab: {  	[dreg:$0x4] =	wrdreg $0xC0  }
0xac: {  	_ =	task [dreg:s8], $0x5FFFF  }
0xad: {  	[dreg:$0x1] =	wrdreg $0xFFFFFFFF  }
0xae: {  	[dreg:$0x0] =	wrdreg $0x60  }
0xaf: {  	[dreg:$0x2] =	wrdreg s2  }
0xb0: {  	[dreg:$0x3] =	wrdreg s18  }
0xb1: {  	[dreg:$0x4] =	wrdreg s24  }
0xb2: {  	[dreg:$0x5] =	wrdreg $0x9  }
0xb3: {  	_ =	task.clear_ibuf [dreg:s8], $0x6FFFF;
	_ =	strace $0x90000046  }
0xb4: {  	s29 =	simm.s32 $0x9;
	_ =	strace $0x80000048  }
0xb5: {  	_ =	swait.ge [sflag:s29], $0x1  }
0xb6: {  	[sflag:s29] =	ssyncadd.s32 $0xFFFFFFFF  }
0xb7: {  	_ =	strace $0x90000048  }
0xb8: {  	_ =	sfence  }
0xb9: {  	s30 =	sld [smem:$0x0];
	_ =	sdelay $0x2  }
0xba: {  	s31 =	sshll.u32 s1, $0xD;
	s1 =	sshrl.u32 s1, $0x2  }
0xbb: {  	s3 =	sand.u32 $0x4000, s31;
	s1 =	sadd.s32 s1, s30  }
0xbc: {  	s0 =	sor.u32 s3, s0;
	s1 =	sshll.u32 s1, $0x11  }
0xbd: {  	s0 =	sor.u32 s1, s0  }
0xbe: {  	s0 =	sadd.s32 $0x8F2B, s0  }
0xbf: {  	[sflag:s0] =	ssyncadd.remote.s32 $0x1  }
0xc0: {  	_ =	sfence.sel $0xFFFF  }
0xc1: {  	[dreg:$0x0] =	wrdreg $0xFFFFFFFF;
	(pc) =	sbr.abs _section_cstart, $3  }
0xc2: {  	[dreg:$0x1] =	wrdreg $0xFFFFFFFF  }
0xc3: {  	_ =	task.clear_ibuf [dreg:s8], $0x2FFFF;
	_ =	strace $0x9FFFFFFF  }
0xc4: {  	(tm) =	ssettm $0x7FFFFFFF  }
0xc5: {  	_ =	shalt  }
tec
execute0_lowered:
.L_overlay_start_1:
0x0: {  	(tag) =	ssettag $0x1  }
0x1: {  	v0 =	vimm.s32 $0x3F80  }
0x2: {  	vm14 =	vcmask $0x300;
	vm13 =	vcmask $0x704;
	vm12 =	vcmask $0xB08  }
0x3: {  	vm11 =	vcmask $0xF0C;
	vm10 =	vcmask $0x1310;
	vm9 =	vcmask $0x1714  }
0x4: {  	vm8 =	vcmask $0x1B18;
	vm7 =	vcmask $0x1F1C;
	vm6 =	vcmask $0x2320  }
0x5: {  	vm5 =	vcmask $0x2724;
	vm4 =	vcmask $0x2B28;
	vm3 =	vcmask $0x2F2C  }
0x6: {  	vm2 =	vcmask $0x3330;
	vm1 =	vcmask $0x3734;
	vm0 =	vcmask $0x3B38  }
0x7: {  	v1 =	vimm.s32 $0x7F80;
	v2 =	vimm.s32 $0xBF80;
	v3 =	vimm.s32 $0xFF80  }
0x8: {  	v0 =	vsel vm14, $0x0, v0;
	v1 =	vsel vm14, $0x4000, v1;
	v2 =	vsel vm14, $0x8000, v2  }
0x9: {  	v3 =	vsel vm14, $0xC000, v3;
	v0 =	vsel vm13, $0x480, v0;
	v1 =	vsel vm13, $0x4480, v1  }
0xa: {  	v2 =	vsel vm13, $0x8480, v2;
	v3 =	vsel vm13, $0xC480, v3;
	v0 =	vsel vm12, $0x900, v0  }
0xb: {  	s1 =	rddreg [dreg:$0x0];
	v1 =	vsel vm12, $0x4900, v1;
	v2 =	vsel vm12, $0x8900, v2;
	v3 =	vsel vm12, $0xC900, v3  }
0xc: {  	s0 =	rddreg [dreg:$0x1];
	v0 =	vsel vm11, $0xD80, v0;
	v1 =	vsel vm11, $0x4D80, v1;
	v2 =	vsel vm11, $0x8D80, v2  }
0xd: {  	s2 =	rddreg [dreg:$0x2];
	s3 =	simm.s32 $0x0;
	v3 =	vsel vm11, $0xCD80, v3;
	v0 =	vsel vm10, $0x1200, v0;
	v1 =	vsel vm10, $0x5200, v1  }
0xe: {  	s4 =	srdreg.scid;
	s5 =	stileid.u32;
	s15 =	simm.s32 $0x2;
	v2 =	vsel vm10, $0x9200, v2;
	v3 =	vsel vm10, $0xD200, v3;
	v0 =	vsel vm9, $0x1680, v0  }
0xf: {  	s16 =	simm.s32 $0x80;
	s21 =	simm.s32 $0xD480;
	s22 =	simm.s32 $0xD880;
	v1 =	vsel vm9, $0x5680, v1;
	v2 =	vsel vm9, $0x9680, v2;
	v3 =	vsel vm9, $0xD680, v3  }
0x10: {  	s23 =	simm.s32 $0xDC80;
	s24 =	simm.s32 $0xE080;
	s28 =	simm.s32 $0xEC80;
	v0 =	vsel vm8, $0x1B00, v0;
	v1 =	vsel vm8, $0x5B00, v1;
	v2 =	vsel vm8, $0x9B00, v2  }
0x11: {  	s29 =	simm.s32 $0xF080;
	s30 =	simm.s32 $0xF480;
	s31 =	simm.s32 $0xF880;
	v3 =	vsel vm8, $0xDB00, v3;
	v0 =	vsel vm7, $0x1F80, v0;
	v1 =	vsel vm7, $0x5F80, v1  }
0x12: {  	s17 =	simm.s32 $0x10080;
	s4 =	sand.u32 $0x1, s4;
	s5 =	sshll.u32 s5, $0x1;
	v2 =	vsel vm7, $0x9F80, v2;
	v3 =	vsel vm7, $0xDF80, v3;
	v0 =	vsel vm6, $0x2000, v0  }
0x13: {  	s18 =	simm.s32 $0x0;
	[smem:$0x7FF] =	sst s3;
	s5 =	sor.u32 s4, s5;
	v1 =	vsel vm6, $0x6000, v1;
	v2 =	vsel vm6, $0xA000, v2;
	v3 =	vsel vm6, $0xE000, v3  }
0x14: {  	_ =	strace $0x80000047;
	s4 =	ssub.s32 $0x2, s4;
	s6 =	sshll.u32 s5, $0x4;
	v0 =	vsel vm5, $0x2480, v0;
	v1 =	vsel vm5, $0x6480, v1;
	v2 =	vsel vm5, $0xA480, v2  }
0x15: {  	s7 =	smul.u32 $0x1F4000, s5;
	s25 =	sshrl.u32 s4, $0x1;
	s5 =	sshll.u32 s5, $0x3;
	v3 =	vsel vm5, $0xE480, v3;
	v0 =	vsel vm4, $0x2900, v0;
	v1 =	vsel vm4, $0x6900, v1  }
0x16: {  	s2 =	sadd.s32 s6, s2;
	s14 =	ssub.s32 s4, s25;
	s4 =	sadd.s32 s0, s5;
	v2 =	vsel vm4, $0xA900, v2;
	v3 =	vsel vm4, $0xE900, v3;
	v0 =	vsel vm3, $0x2D80, v0  }
0x17: {  	s25 =	simm.s32 $0xE480;
	s0 =	simm.s32 $0xFC80;
	s26 =	sshrl.u32 s7, $0x3;
	v1 =	vsel vm3, $0x6D80, v1;
	v2 =	vsel vm3, $0xAD80, v2;
	v3 =	vsel vm3, $0xED80, v3  }
0x18: {  	s13 =	sadd.s32 $0x200, s2;
	s14 =	smax.u32 s14, $0x1;
	s2 =	simm.s32 $0x1;
	v0 =	vsel vm2, $0x3200, v0;
	v1 =	vsel vm2, $0x7200, v1;
	v2 =	vsel vm2, $0xB200, v2  }
0x19: {  	s5 =	sadd.s32 s1, s26;
	s6 =	sadd.s32 $0x7D00, s26;
	s7 =	sadd.s32 $0xFA00, s26;
	v3 =	vsel vm2, $0xF200, v3;
	v0 =	vsel vm1, $0x3680, v0;
	v1 =	vsel vm1, $0x7680, v1  }
0x1a: {  	s8 =	sadd.s32 $0x17700, s26;
	s9 =	sadd.s32 $0x1F400, s26;
	s10 =	sadd.s32 $0x27100, s26;
	v2 =	vsel vm1, $0xB680, v2;
	v3 =	vsel vm1, $0xF680, v3;
	v0 =	vsel vm0, $0x3B00, v0  }
0x1b: {  	s11 =	sadd.s32 $0x2EE00, s26;
	s12 =	sadd.s32 $0x36B00, s26;
	s26 =	simm.s32 $0xE880;
	v1 =	vsel vm0, $0x7B00, v1;
	v2 =	vsel vm0, $0xBB00, v2;
	v3 =	vsel vm0, $0xFB00, v3  }
.LBB2_1:
0x1c: {  	[tilespmem:s3], [sflag:$0x2] =	stream.linear.gather [hbm4b:s4+s3], $0x40, $0x38;
	[tilespmem:$0x10100] =	vst v63  }
0x1d: {  	_ =	swait.ge [sflag:s15], $0x40  }
0x1e: {  	[sflag:s15] =	ssyncset.done $0x0  }
0x1f: {  	[sflag:s15] =	ssyncadd.s32 $0xFFFFFFC0  }
0x20: {  	v4 =	vld [tilespmem:$0x0];
	_ =	sdelay $0x4  }
0x21: {  	v4 =	vand.u32 $0xFFFFFF80, v4  }
0x22: {  	v5 =	vadd.s32 s5, v4  }
0x23: {  	(v2sf) =	vpush v5, $0x0;
	_ =	sdelay $0x1  }
0x24: {  	(v2sf) =	vpush v5, $0x1;
	_ =	sdelay $0x1  }
0x25: {  	(v2sf) =	vpush v5, $0x2;
	_ =	sdelay $0x1  }
0x26: {  	(v2sf) =	vpush v5, $0x3;
	_ =	sdelay $0x1  }
0x27: {  	(v2sf) =	vpush v5, $0x4;
	_ =	sdelay $0x1  }
0x28: {  	(v2sf) =	vpush v5, $0x5;
	_ =	sdelay $0x1  }
0x29: {  	(v2sf) =	vpush v5, $0x6;
	_ =	sdelay $0x1  }
0x2a: {  	(v2sf) =	vpush v5, $0x7  }
0x2b: {  	v4 =	vadd.s32 s6, v4;
	s19 =	spop (v2sf)  }
0x2c: {  	(v2sf) =	vpush v4, $0x8;
	[tilespmem:s16], [sflag:$0x1] =	stream.linear.gather [hbm4b:s19+s3], $0x400, $0x38;
	[tilespmem:$0x10100] =	vst v63  }
0x2d: {  	s20 =	simm.s32 $0x480;
	s19 =	spop (v2sf)  }
0x2e: {  	[tilespmem:s20], [sflag:$0x1] =	stream.linear.gather [hbm4b:s19+s3], $0x400, $0x38;
	[tilespmem:$0x10100] =	vst v63  }
0x2f: {  	s19 =	spop (v2sf);
	s20 =	simm.s32 $0x880  }
0x30: {  	(v2sf) =	vpush v4, $0x9;
	[tilespmem:s20], [sflag:$0x1] =	stream.linear.gather [hbm4b:s19+s3], $0x400, $0x38;
	[tilespmem:$0x10100] =	vst v63  }
0x31: {  	s19 =	spop (v2sf);
	s20 =	simm.s32 $0xC80  }
0x32: {  	[tilespmem:s20], [sflag:$0x1] =	stream.linear.gather [hbm4b:s19+s3], $0x400, $0x38;
	[tilespmem:$0x10100] =	vst v63  }
0x33: {  	s19 =	spop (v2sf);
	s20 =	simm.s32 $0x1080  }
0x34: {  	(v2sf) =	vpush v4, $0xA;
	[tilespmem:s20], [sflag:$0x1] =	stream.linear.gather [hbm4b:s19+s3], $0x400, $0x38;
	[tilespmem:$0x10100] =	vst v63  }
0x35: {  	s19 =	spop (v2sf);
	s20 =	simm.s32 $0x1480  }
0x36: {  	[tilespmem:s20], [sflag:$0x1] =	stream.linear.gather [hbm4b:s19+s3], $0x400, $0x38;
	[tilespmem:$0x10100] =	vst v63  }
0x37: {  	s19 =	spop (v2sf);
	s20 =	simm.s32 $0x1880  }
0x38: {  	(v2sf) =	vpush v4, $0xB;
	[tilespmem:s20], [sflag:$0x1] =	stream.linear.gather [hbm4b:s19+s3], $0x400, $0x38;
	[tilespmem:$0x10100] =	vst v63  }
0x39: {  	s19 =	spop (v2sf);
	s20 =	simm.s32 $0x1C80  }
0x3a: {  	[tilespmem:s20], [sflag:$0x1] =	stream.linear.gather [hbm4b:s19+s3], $0x400, $0x38;
	[tilespmem:$0x10100] =	vst v63  }
0x3b: {  	s20 =	spop (v2sf)  }
0x3c: {  	(v2sf) =	vpush v4, $0xC;
	s19 =	sand.u32 $0x1FFFFF80, s20  }
0x3d: {  	s20 =	simm.s32 $0x2080;
	s19 =	sadd.s32 s1, s19  }
0x3e: {  	[tilespmem:s20], [sflag:$0x1] =	stream.linear.gather [hbm4b:s19+s3], $0x400, $0x38;
	[tilespmem:$0x10100] =	vst v63  }
0x3f: {  	s20 =	spop (v2sf)  }
0x40: {  	(v2sf) =	vpush v4, $0xD;
	s19 =	sand.u32 $0x1FFFFF80, s20  }
0x41: {  	s20 =	simm.s32 $0x2480;
	s19 =	sadd.s32 s1, s19  }
0x42: {  	[tilespmem:s20], [sflag:$0x1] =	stream.linear.gather [hbm4b:s19+s3], $0x400, $0x38;
	[tilespmem:$0x10100] =	vst v63  }
0x43: {  	s20 =	spop (v2sf)  }
0x44: {  	(v2sf) =	vpush v4, $0xE;
	s19 =	sand.u32 $0x1FFFFF80, s20  }
0x45: {  	s20 =	simm.s32 $0x2880;
	s19 =	sadd.s32 s1, s19  }
0x46: {  	[tilespmem:s20], [sflag:$0x1] =	stream.linear.gather [hbm4b:s19+s3], $0x400, $0x38;
	[tilespmem:$0x10100] =	vst v63  }
0x47: {  	s20 =	spop (v2sf)  }
0x48: {  	(v2sf) =	vpush v4, $0xF;
	s19 =	sand.u32 $0x1FFFFF80, s20  }
0x49: {  	s20 =	simm.s32 $0x2C80;
	s19 =	sadd.s32 s1, s19  }
0x4a: {  	[tilespmem:s20], [sflag:$0x1] =	stream.linear.gather [hbm4b:s19+s3], $0x400, $0x38;
	[tilespmem:$0x10100] =	vst v63  }
0x4b: {  	s20 =	spop (v2sf)  }
0x4c: {  	s19 =	sand.u32 $0x1FFFFF80, s20  }
0x4d: {  	s20 =	simm.s32 $0x3080;
	s19 =	sadd.s32 s1, s19  }
0x4e: {  	[tilespmem:s20], [sflag:$0x1] =	stream.linear.gather [hbm4b:s19+s3], $0x400, $0x38;
	[tilespmem:$0x10100] =	vst v63  }
0x4f: {  	s20 =	spop (v2sf)  }
0x50: {  	s19 =	sand.u32 $0x1FFFFF80, s20  }
0x51: {  	s20 =	simm.s32 $0x3480;
	s19 =	sadd.s32 s1, s19  }
0x52: {  	[tilespmem:s20], [sflag:$0x1] =	stream.linear.gather [hbm4b:s19+s3], $0x400, $0x38;
	[tilespmem:$0x10100] =	vst v63  }
0x53: {  	s20 =	spop (v2sf)  }
0x54: {  	s19 =	sand.u32 $0x1FFFFF80, s20  }
0x55: {  	s20 =	simm.s32 $0x3880;
	s19 =	sadd.s32 s1, s19  }
0x56: {  	[tilespmem:s20], [sflag:$0x1] =	stream.linear.gather [hbm4b:s19+s3], $0x400, $0x38;
	[tilespmem:$0x10100] =	vst v63  }
0x57: {  	s20 =	spop (v2sf)  }
0x58: {  	s19 =	sand.u32 $0x1FFFFF80, s20  }
0x59: {  	s20 =	simm.s32 $0x3C80;
	s19 =	sadd.s32 s1, s19  }
0x5a: {  	[tilespmem:s20], [sflag:$0x1] =	stream.linear.gather [hbm4b:s19+s3], $0x400, $0x38;
	[tilespmem:$0x10100] =	vst v63  }
0x5b: {  	v4 =	vld [tilespmem:$0x10];
	_ =	sdelay $0x4  }
0x5c: {  	v4 =	vand.u32 $0xFFFFFF80, v4  }
0x5d: {  	v5 =	vadd.s32 s7, v4  }
0x5e: {  	(v2sf) =	vpush v5, $0x0;
	_ =	sdelay $0x3  }
0x5f: {  	(v2sf) =	vpush v5, $0x1;
	_ =	sdelay $0x3  }
0x60: {  	(v2sf) =	vpush v5, $0x2;
	_ =	sdelay $0x3  }
0x61: {  	(v2sf) =	vpush v5, $0x3;
	_ =	sdelay $0x2  }
0x62: {  	s20 =	spop (v2sf)  }
0x63: {  	(v2sf) =	vpush v5, $0x4;
	s19 =	sand.u32 $0x1FFFFF80, s20  }
0x64: {  	s20 =	simm.s32 $0x4080;
	s19 =	sadd.s32 s1, s19  }
0x65: {  	[tilespmem:s20], [sflag:$0x1] =	stream.linear.gather [hbm4b:s19+s3], $0x400, $0x38;
	[tilespmem:$0x10100] =	vst v63  }
0x66: {  	s20 =	spop (v2sf)  }
0x67: {  	(v2sf) =	vpush v5, $0x5;
	s19 =	sand.u32 $0x1FFFFF80, s20  }
0x68: {  	s20 =	simm.s32 $0x4480;
	s19 =	sadd.s32 s1, s19  }
0x69: {  	[tilespmem:s20], [sflag:$0x1] =	stream.linear.gather [hbm4b:s19+s3], $0x400, $0x38;
	[tilespmem:$0x10100] =	vst v63  }
0x6a: {  	s20 =	spop (v2sf)  }
0x6b: {  	(v2sf) =	vpush v5, $0x6;
	s19 =	sand.u32 $0x1FFFFF80, s20  }
0x6c: {  	s20 =	simm.s32 $0x4880;
	s19 =	sadd.s32 s1, s19  }
0x6d: {  	[tilespmem:s20], [sflag:$0x1] =	stream.linear.gather [hbm4b:s19+s3], $0x400, $0x38;
	[tilespmem:$0x10100] =	vst v63  }
0x6e: {  	s20 =	spop (v2sf)  }
0x6f: {  	(v2sf) =	vpush v5, $0x7;
	s19 =	sand.u32 $0x1FFFFF80, s20  }
0x70: {  	s20 =	simm.s32 $0x4C80;
	s19 =	sadd.s32 s1, s19  }
0x71: {  	[tilespmem:s20], [sflag:$0x1] =	stream.linear.gather [hbm4b:s19+s3], $0x400, $0x38;
	[tilespmem:$0x10100] =	vst v63  }
0x72: {  	v4 =	vadd.s32 s8, v4;
	s20 =	spop (v2sf)  }
0x73: {  	(v2sf) =	vpush v4, $0x8;
	s19 =	sand.u32 $0x1FFFFF80, s20  }
0x74: {  	s20 =	simm.s32 $0x5080;
	s19 =	sadd.s32 s1, s19  }
0x75: {  	[tilespmem:s20], [sflag:$0x1] =	stream.linear.gather [hbm4b:s19+s3], $0x400, $0x38;
	[tilespmem:$0x10100] =	vst v63  }
0x76: {  	s20 =	spop (v2sf)  }
0x77: {  	(v2sf) =	vpush v4, $0x9;
	s19 =	sand.u32 $0x1FFFFF80, s20  }
0x78: {  	s20 =	simm.s32 $0x5480;
	s19 =	sadd.s32 s1, s19  }
0x79: {  	[tilespmem:s20], [sflag:$0x1] =	stream.linear.gather [hbm4b:s19+s3], $0x400, $0x38;
	[tilespmem:$0x10100] =	vst v63  }
0x7a: {  	s20 =	spop (v2sf)  }
0x7b: {  	(v2sf) =	vpush v4, $0xA;
	s19 =	sand.u32 $0x1FFFFF80, s20  }
0x7c: {  	s20 =	simm.s32 $0x5880;
	s19 =	sadd.s32 s1, s19  }
0x7d: {  	[tilespmem:s20], [sflag:$0x1] =	stream.linear.gather [hbm4b:s19+s3], $0x400, $0x38;
	[tilespmem:$0x10100] =	vst v63  }
0x7e: {  	s20 =	spop (v2sf)  }
0x7f: {  	(v2sf) =	vpush v4, $0xB;
	s19 =	sand.u32 $0x1FFFFF80, s20  }
0x80: {  	s20 =	simm.s32 $0x5C80;
	s19 =	sadd.s32 s1, s19  }
0x81: {  	[tilespmem:s20], [sflag:$0x1] =	stream.linear.gather [hbm4b:s19+s3], $0x400, $0x38;
	[tilespmem:$0x10100] =	vst v63  }
0x82: {  	s20 =	spop (v2sf)  }
0x83: {  	(v2sf) =	vpush v4, $0xC;
	s19 =	sand.u32 $0x1FFFFF80, s20  }
0x84: {  	s20 =	simm.s32 $0x6080;
	s19 =	sadd.s32 s1, s19  }
0x85: {  	[tilespmem:s20], [sflag:$0x1] =	stream.linear.gather [hbm4b:s19+s3], $0x400, $0x38;
	[tilespmem:$0x10100] =	vst v63  }
0x86: {  	s20 =	spop (v2sf)  }
0x87: {  	(v2sf) =	vpush v4, $0xD;
	s19 =	sand.u32 $0x1FFFFF80, s20  }
0x88: {  	s20 =	simm.s32 $0x6480;
	s19 =	sadd.s32 s1, s19  }
0x89: {  	[tilespmem:s20], [sflag:$0x1] =	stream.linear.gather [hbm4b:s19+s3], $0x400, $0x38;
	[tilespmem:$0x10100] =	vst v63  }
0x8a: {  	s20 =	spop (v2sf)  }
0x8b: {  	(v2sf) =	vpush v4, $0xE;
	s19 =	sand.u32 $0x1FFFFF80, s20  }
0x8c: {  	s20 =	simm.s32 $0x6880;
	s19 =	sadd.s32 s1, s19  }
0x8d: {  	[tilespmem:s20], [sflag:$0x1] =	stream.linear.gather [hbm4b:s19+s3], $0x400, $0x38;
	[tilespmem:$0x10100] =	vst v63  }
0x8e: {  	s20 =	spop (v2sf)  }
0x8f: {  	(v2sf) =	vpush v4, $0xF;
	s19 =	sand.u32 $0x1FFFFF80, s20  }
0x90: {  	s20 =	simm.s32 $0x6C80;
	s19 =	sadd.s32 s1, s19  }
0x91: {  	[tilespmem:s20], [sflag:$0x1] =	stream.linear.gather [hbm4b:s19+s3], $0x400, $0x38;
	[tilespmem:$0x10100] =	vst v63  }
0x92: {  	s20 =	spop (v2sf)  }
0x93: {  	s19 =	sand.u32 $0x1FFFFF80, s20  }
0x94: {  	s20 =	simm.s32 $0x7080;
	s19 =	sadd.s32 s1, s19  }
0x95: {  	[tilespmem:s20], [sflag:$0x1] =	stream.linear.gather [hbm4b:s19+s3], $0x400, $0x38;
	[tilespmem:$0x10100] =	vst v63  }
0x96: {  	s20 =	spop (v2sf)  }
0x97: {  	s19 =	sand.u32 $0x1FFFFF80, s20  }
0x98: {  	s20 =	simm.s32 $0x7480;
	s19 =	sadd.s32 s1, s19  }
0x99: {  	[tilespmem:s20], [sflag:$0x1] =	stream.linear.gather [hbm4b:s19+s3], $0x400, $0x38;
	[tilespmem:$0x10100] =	vst v63  }
0x9a: {  	s20 =	spop (v2sf)  }
0x9b: {  	s19 =	sand.u32 $0x1FFFFF80, s20  }
0x9c: {  	s20 =	simm.s32 $0x7880;
	s19 =	sadd.s32 s1, s19  }
0x9d: {  	[tilespmem:s20], [sflag:$0x1] =	stream.linear.gather [hbm4b:s19+s3], $0x400, $0x38;
	[tilespmem:$0x10100] =	vst v63  }
0x9e: {  	s20 =	spop (v2sf)  }
0x9f: {  	s19 =	sand.u32 $0x1FFFFF80, s20  }
0xa0: {  	s20 =	simm.s32 $0x7C80;
	s19 =	sadd.s32 s1, s19  }
0xa1: {  	[tilespmem:s20], [sflag:$0x1] =	stream.linear.gather [hbm4b:s19+s3], $0x400, $0x38;
	[tilespmem:$0x10100] =	vst v63  }
0xa2: {  	v4 =	vld [tilespmem:$0x20];
	_ =	sdelay $0x4  }
0xa3: {  	v4 =	vand.u32 $0xFFFFFF80, v4  }
0xa4: {  	v5 =	vadd.s32 s9, v4  }
0xa5: {  	(v2sf) =	vpush v5, $0x0;
	_ =	sdelay $0x3  }
0xa6: {  	(v2sf) =	vpush v5, $0x1;
	_ =	sdelay $0x3  }
0xa7: {  	(v2sf) =	vpush v5, $0x2;
	_ =	sdelay $0x3  }
0xa8: {  	(v2sf) =	vpush v5, $0x3;
	_ =	sdelay $0x2  }
0xa9: {  	s20 =	spop (v2sf)  }
0xaa: {  	(v2sf) =	vpush v5, $0x4;
	s19 =	sand.u32 $0x1FFFFF80, s20  }
0xab: {  	s20 =	simm.s32 $0x8080;
	s19 =	sadd.s32 s1, s19  }
0xac: {  	[tilespmem:s20], [sflag:$0x1] =	stream.linear.gather [hbm4b:s19+s3], $0x400, $0x38;
	[tilespmem:$0x10100] =	vst v63  }
0xad: {  	s20 =	spop (v2sf)  }
0xae: {  	(v2sf) =	vpush v5, $0x5;
	s19 =	sand.u32 $0x1FFFFF80, s20  }
0xaf: {  	s20 =	simm.s32 $0x8480;
	s19 =	sadd.s32 s1, s19  }
0xb0: {  	[tilespmem:s20], [sflag:$0x1] =	stream.linear.gather [hbm4b:s19+s3], $0x400, $0x38;
	[tilespmem:$0x10100] =	vst v63  }
0xb1: {  	s20 =	spop (v2sf)  }
0xb2: {  	(v2sf) =	vpush v5, $0x6;
	s19 =	sand.u32 $0x1FFFFF80, s20  }
0xb3: {  	s20 =	simm.s32 $0x8880;
	s19 =	sadd.s32 s1, s19  }
0xb4: {  	[tilespmem:s20], [sflag:$0x1] =	stream.linear.gather [hbm4b:s19+s3], $0x400, $0x38;
	[tilespmem:$0x10100] =	vst v63  }
0xb5: {  	s20 =	spop (v2sf)  }
0xb6: {  	(v2sf) =	vpush v5, $0x7;
	s19 =	sand.u32 $0x1FFFFF80, s20  }
0xb7: {  	s20 =	simm.s32 $0x8C80;
	s19 =	sadd.s32 s1, s19  }
0xb8: {  	[tilespmem:s20], [sflag:$0x1] =	stream.linear.gather [hbm4b:s19+s3], $0x400, $0x38;
	[tilespmem:$0x10100] =	vst v63  }
0xb9: {  	v4 =	vadd.s32 s10, v4;
	s20 =	spop (v2sf)  }
0xba: {  	(v2sf) =	vpush v4, $0x8;
	s19 =	sand.u32 $0x1FFFFF80, s20  }
0xbb: {  	s20 =	simm.s32 $0x9080;
	s19 =	sadd.s32 s1, s19  }
0xbc: {  	[tilespmem:s20], [sflag:$0x1] =	stream.linear.gather [hbm4b:s19+s3], $0x400, $0x38;
	[tilespmem:$0x10100] =	vst v63  }
0xbd: {  	s20 =	spop (v2sf)  }
0xbe: {  	(v2sf) =	vpush v4, $0x9;
	s19 =	sand.u32 $0x1FFFFF80, s20  }
0xbf: {  	s20 =	simm.s32 $0x9480;
	s19 =	sadd.s32 s1, s19  }
0xc0: {  	[tilespmem:s20], [sflag:$0x1] =	stream.linear.gather [hbm4b:s19+s3], $0x400, $0x38;
	[tilespmem:$0x10100] =	vst v63  }
0xc1: {  	s20 =	spop (v2sf)  }
0xc2: {  	(v2sf) =	vpush v4, $0xA;
	s19 =	sand.u32 $0x1FFFFF80, s20  }
0xc3: {  	s20 =	simm.s32 $0x9880;
	s19 =	sadd.s32 s1, s19  }
0xc4: {  	[tilespmem:s20], [sflag:$0x1] =	stream.linear.gather [hbm4b:s19+s3], $0x400, $0x38;
	[tilespmem:$0x10100] =	vst v63  }
0xc5: {  	s20 =	spop (v2sf)  }
0xc6: {  	(v2sf) =	vpush v4, $0xB;
	s19 =	sand.u32 $0x1FFFFF80, s20  }
0xc7: {  	s20 =	simm.s32 $0x9C80;
	s19 =	sadd.s32 s1, s19  }
0xc8: {  	[tilespmem:s20], [sflag:$0x1] =	stream.linear.gather [hbm4b:s19+s3], $0x400, $0x38;
	[tilespmem:$0x10100] =	vst v63  }
0xc9: {  	s20 =	spop (v2sf)  }
0xca: {  	(v2sf) =	vpush v4, $0xC;
	s19 =	sand.u32 $0x1FFFFF80, s20  }
0xcb: {  	s20 =	simm.s32 $0xA080;
	s19 =	sadd.s32 s1, s19  }
0xcc: {  	[tilespmem:s20], [sflag:$0x1] =	stream.linear.gather [hbm4b:s19+s3], $0x400, $0x38;
	[tilespmem:$0x10100] =	vst v63  }
0xcd: {  	s20 =	spop (v2sf)  }
0xce: {  	(v2sf) =	vpush v4, $0xD;
	s19 =	sand.u32 $0x1FFFFF80, s20  }
0xcf: {  	s20 =	simm.s32 $0xA480;
	s19 =	sadd.s32 s1, s19  }
0xd0: {  	[tilespmem:s20], [sflag:$0x1] =	stream.linear.gather [hbm4b:s19+s3], $0x400, $0x38;
	[tilespmem:$0x10100] =	vst v63  }
0xd1: {  	s20 =	spop (v2sf)  }
0xd2: {  	(v2sf) =	vpush v4, $0xE;
	s19 =	sand.u32 $0x1FFFFF80, s20  }
0xd3: {  	s20 =	simm.s32 $0xA880;
	s19 =	sadd.s32 s1, s19  }
0xd4: {  	[tilespmem:s20], [sflag:$0x1] =	stream.linear.gather [hbm4b:s19+s3], $0x400, $0x38;
	[tilespmem:$0x10100] =	vst v63  }
0xd5: {  	s20 =	spop (v2sf)  }
0xd6: {  	(v2sf) =	vpush v4, $0xF;
	s19 =	sand.u32 $0x1FFFFF80, s20  }
0xd7: {  	s20 =	simm.s32 $0xAC80;
	s19 =	sadd.s32 s1, s19  }
0xd8: {  	[tilespmem:s20], [sflag:$0x1] =	stream.linear.gather [hbm4b:s19+s3], $0x400, $0x38;
	[tilespmem:$0x10100] =	vst v63  }
0xd9: {  	s20 =	spop (v2sf)  }
0xda: {  	s19 =	sand.u32 $0x1FFFFF80, s20  }
0xdb: {  	s20 =	simm.s32 $0xB080;
	s19 =	sadd.s32 s1, s19  }
0xdc: {  	[tilespmem:s20], [sflag:$0x1] =	stream.linear.gather [hbm4b:s19+s3], $0x400, $0x38;
	[tilespmem:$0x10100] =	vst v63  }
0xdd: {  	s20 =	spop (v2sf)  }
0xde: {  	s19 =	sand.u32 $0x1FFFFF80, s20  }
0xdf: {  	s20 =	simm.s32 $0xB480;
	s19 =	sadd.s32 s1, s19  }
0xe0: {  	[tilespmem:s20], [sflag:$0x1] =	stream.linear.gather [hbm4b:s19+s3], $0x400, $0x38;
	[tilespmem:$0x10100] =	vst v63  }
0xe1: {  	s20 =	spop (v2sf)  }
0xe2: {  	s19 =	sand.u32 $0x1FFFFF80, s20  }
0xe3: {  	s20 =	simm.s32 $0xB880;
	s19 =	sadd.s32 s1, s19  }
0xe4: {  	[tilespmem:s20], [sflag:$0x1] =	stream.linear.gather [hbm4b:s19+s3], $0x400, $0x38;
	[tilespmem:$0x10100] =	vst v63  }
0xe5: {  	s20 =	spop (v2sf)  }
0xe6: {  	s19 =	sand.u32 $0x1FFFFF80, s20  }
0xe7: {  	s20 =	simm.s32 $0xBC80;
	s19 =	sadd.s32 s1, s19  }
0xe8: {  	[tilespmem:s20], [sflag:$0x1] =	stream.linear.gather [hbm4b:s19+s3], $0x400, $0x38;
	[tilespmem:$0x10100] =	vst v63  }
0xe9: {  	v4 =	vld [tilespmem:$0x30];
	_ =	sdelay $0x4  }
0xea: {  	v4 =	vand.u32 $0xFFFFFF80, v4  }
0xeb: {  	v5 =	vadd.s32 s11, v4  }
0xec: {  	(v2sf) =	vpush v5, $0x0;
	_ =	sdelay $0x3  }
0xed: {  	(v2sf) =	vpush v5, $0x1;
	_ =	sdelay $0x3  }
0xee: {  	(v2sf) =	vpush v5, $0x2;
	_ =	sdelay $0x3  }
0xef: {  	(v2sf) =	vpush v5, $0x3;
	_ =	sdelay $0x2  }
0xf0: {  	s20 =	spop (v2sf)  }
0xf1: {  	(v2sf) =	vpush v5, $0x4;
	s19 =	sand.u32 $0x1FFFFF80, s20  }
0xf2: {  	s20 =	simm.s32 $0xC080;
	s19 =	sadd.s32 s1, s19  }
0xf3: {  	[tilespmem:s20], [sflag:$0x1] =	stream.linear.gather [hbm4b:s19+s3], $0x400, $0x38;
	[tilespmem:$0x10100] =	vst v63  }
0xf4: {  	s20 =	spop (v2sf)  }
0xf5: {  	(v2sf) =	vpush v5, $0x5;
	s19 =	sand.u32 $0x1FFFFF80, s20  }
0xf6: {  	s20 =	simm.s32 $0xC480;
	s19 =	sadd.s32 s1, s19  }
0xf7: {  	[tilespmem:s20], [sflag:$0x1] =	stream.linear.gather [hbm4b:s19+s3], $0x400, $0x38;
	[tilespmem:$0x10100] =	vst v63  }
0xf8: {  	s20 =	spop (v2sf)  }
0xf9: {  	(v2sf) =	vpush v5, $0x6;
	s19 =	sand.u32 $0x1FFFFF80, s20  }
0xfa: {  	s20 =	simm.s32 $0xC880;
	s19 =	sadd.s32 s1, s19  }
0xfb: {  	[tilespmem:s20], [sflag:$0x1] =	stream.linear.gather [hbm4b:s19+s3], $0x400, $0x38;
	[tilespmem:$0x10100] =	vst v63  }
0xfc: {  	s20 =	spop (v2sf)  }
0xfd: {  	(v2sf) =	vpush v5, $0x7;
	s19 =	sand.u32 $0x1FFFFF80, s20  }
0xfe: {  	s20 =	simm.s32 $0xCC80;
	s19 =	sadd.s32 s1, s19  }
0xff: {  	[tilespmem:s20], [sflag:$0x1] =	stream.linear.gather [hbm4b:s19+s3], $0x400, $0x38;
	[tilespmem:$0x10100] =	vst v63  }
0x100: {  	v4 =	vadd.s32 s12, v4;
	s20 =	spop (v2sf)  }
0x101: {  	(v2sf) =	vpush v4, $0x8;
	s19 =	sand.u32 $0x1FFFFF80, s20  }
0x102: {  	s20 =	simm.s32 $0xD080;
	s19 =	sadd.s32 s1, s19  }
0x103: {  	[tilespmem:s20], [sflag:$0x1] =	stream.linear.gather [hbm4b:s19+s3], $0x400, $0x38;
	[tilespmem:$0x10100] =	vst v63  }
0x104: {  	s20 =	spop (v2sf)  }
0x105: {  	(v2sf) =	vpush v4, $0x9;
	s19 =	sand.u32 $0x1FFFFF80, s20  }
0x106: {  	s19 =	sadd.s32 s1, s19  }
0x107: {  	[tilespmem:s21], [sflag:$0x1] =	stream.linear.gather [hbm4b:s19+s3], $0x400, $0x38;
	[tilespmem:$0x10100] =	vst v63  }
0x108: {  	s20 =	spop (v2sf)  }
0x109: {  	(v2sf) =	vpush v4, $0xA;
	s19 =	sand.u32 $0x1FFFFF80, s20  }
0x10a: {  	s19 =	sadd.s32 s1, s19  }
0x10b: {  	[tilespmem:s22], [sflag:$0x1] =	stream.linear.gather [hbm4b:s19+s3], $0x400, $0x38;
	[tilespmem:$0x10100] =	vst v63  }
0x10c: {  	s20 =	spop (v2sf)  }
0x10d: {  	(v2sf) =	vpush v4, $0xB;
	s19 =	sand.u32 $0x1FFFFF80, s20  }
0x10e: {  	s19 =	sadd.s32 s1, s19  }
0x10f: {  	[tilespmem:s23], [sflag:$0x1] =	stream.linear.gather [hbm4b:s19+s3], $0x400, $0x38;
	[tilespmem:$0x10100] =	vst v63  }
0x110: {  	s20 =	spop (v2sf)  }
0x111: {  	(v2sf) =	vpush v4, $0xC;
	s19 =	sand.u32 $0x1FFFFF80, s20  }
0x112: {  	s19 =	sadd.s32 s1, s19  }
0x113: {  	[tilespmem:s24], [sflag:$0x1] =	stream.linear.gather [hbm4b:s19+s3], $0x400, $0x38;
	[tilespmem:$0x10100] =	vst v63  }
0x114: {  	s20 =	spop (v2sf)  }
0x115: {  	(v2sf) =	vpush v4, $0xD;
	s19 =	sand.u32 $0x1FFFFF80, s20  }
0x116: {  	s19 =	sadd.s32 s1, s19  }
0x117: {  	[tilespmem:s25], [sflag:$0x1] =	stream.linear.gather [hbm4b:s19+s3], $0x400, $0x38;
	[tilespmem:$0x10100] =	vst v63  }
0x118: {  	s20 =	spop (v2sf)  }
0x119: {  	(v2sf) =	vpush v4, $0xE;
	s19 =	sand.u32 $0x1FFFFF80, s20  }
0x11a: {  	s19 =	sadd.s32 s1, s19  }
0x11b: {  	[tilespmem:s26], [sflag:$0x1] =	stream.linear.gather [hbm4b:s19+s3], $0x400, $0x38;
	[tilespmem:$0x10100] =	vst v63  }
0x11c: {  	s20 =	spop (v2sf)  }
0x11d: {  	(v2sf) =	vpush v4, $0xF;
	s19 =	sand.u32 $0x1FFFFF80, s20  }
0x11e: {  	s19 =	sadd.s32 s1, s19  }
0x11f: {  	[tilespmem:s28], [sflag:$0x1] =	stream.linear.gather [hbm4b:s19+s3], $0x400, $0x38;
	[tilespmem:$0x10100] =	vst v63  }
0x120: {  	s20 =	spop (v2sf)  }
0x121: {  	s19 =	sand.u32 $0x1FFFFF80, s20  }
0x122: {  	s19 =	sadd.s32 s1, s19  }
0x123: {  	[tilespmem:s29], [sflag:$0x1] =	stream.linear.gather [hbm4b:s19+s3], $0x400, $0x38;
	[tilespmem:$0x10100] =	vst v63  }
0x124: {  	s20 =	spop (v2sf)  }
0x125: {  	s19 =	sand.u32 $0x1FFFFF80, s20  }
0x126: {  	s19 =	sadd.s32 s1, s19  }
0x127: {  	[tilespmem:s30], [sflag:$0x1] =	stream.linear.gather [hbm4b:s19+s3], $0x400, $0x38;
	[tilespmem:$0x10100] =	vst v63  }
0x128: {  	s20 =	spop (v2sf)  }
0x129: {  	s19 =	sand.u32 $0x1FFFFF80, s20  }
0x12a: {  	s19 =	sadd.s32 s1, s19  }
0x12b: {  	[tilespmem:s31], [sflag:$0x1] =	stream.linear.gather [hbm4b:s19+s3], $0x400, $0x38;
	[tilespmem:$0x10100] =	vst v63  }
0x12c: {  	s20 =	spop (v2sf)  }
0x12d: {  	s19 =	sand.u32 $0x1FFFFF80, s20  }
0x12e: {  	s19 =	sadd.s32 s1, s19  }
0x12f: {  	[tilespmem:s0], [sflag:$0x1] =	stream.linear.gather [hbm4b:s19+s3], $0x400, $0x38;
	[tilespmem:$0x10100] =	vst v63  }
0x130: {  	_ =	swait.ge [sflag:s2], $0x400  }
0x131: {  	s19 =	simm.s32 $0x3F;
	[sflag:s2] =	ssyncset.done $0x0  }
.LBB2_2:
0x132: {  	p0 =	sne.s32 s19, $0x1;
	s19 =	sadd.s32 $0xFFFFFFFF, s19;
	[sflag:s2] =	ssyncadd.s32 $0xFFFFFC00  }
.Ltmp0:
0x133: {  	(pc) =	sbr.rel @p0 .LBB2_2-.Ltmp0, $3  }
0x134: {  	_ =	sdelay $0x1  }
0x135: {  	_ =	swait.ge [sflag:s2], $0x400  }
0x136: {  	[sflag:s2] =	ssyncset.done $0x0  }
0x137: {  	[sflag:s2] =	ssyncadd.s32 $0xFFFFFC00  }
0x138: {  	v4 =	vld [tilespmem:$0x0];
	_ =	sdelay $0x1  }
0x139: {  	v5 =	vld [tilespmem:$0x10];
	_ =	sdelay $0x1  }
0x13a: {  	v6 =	vld [tilespmem:$0x20]  }
0x13b: {  	v7 =	vand.u32 $0x7F, v4  }
0x13c: {  	v8 =	vld [tilespmem:$0x30];
	v7 =	vor.u32 v0, v7  }
0x13d: {  	v9 =	vand.u32 $0x7F, v5  }
0x13e: {  	v9 =	vor.u32 v1, v9  }
0x13f: {  	v10 =	vand.u32 $0x7F, v6  }
0x140: {  	v10 =	vor.u32 v2, v10  }
0x141: {  	v11 =	vand.u32 $0x7F, v8;
	v7 =	vld.idx.msk [tilespmem:v7+s16+$0x0], $0xffff  }
0x142: {  	v11 =	vor.u32 v3, v11  }
0x143: {  	v9 =	vld.idx.msk [tilespmem:v9+s16+$0x0], $0xffff;
	_ =	sdelay $0x1  }
0x144: {  	v10 =	vld.idx.msk [tilespmem:v10+s16+$0x0], $0xffff  }
0x145: {  	v7 =	vmul.f32 $-8.999968760e-01, v7  }
0x146: {  	v11 =	vld.idx.msk [tilespmem:v11+s16+$0x0], $0xffff  }
0x147: {  	v9 =	vmul.f32 $-8.999968760e-01, v9;
	v7 =	vadd.f32 $0.0e+00, v7  }
0x148: {  	vm0 =	veq.s32 v4, $0x0;
	vm1 =	veq.s32 v5, $0x0  }
0x149: {  	v62 =	vmul.f32 $-8.999968760e-01, v10;
	v5 =	vsel vm1, $0x0, v9;
	v4 =	vsel vm0, $0x0, v7  }
0x14a: {  	vm14 =	veq.s32 v6, $0x0;
	v4 =	vadd.f32 v5, v4  }
0x14b: {  	v63 =	vmul.f32 $-8.999968760e-01, v11;
	v5 =	vsel vm14, $0x0, v62  }
0x14c: {  	vm15 =	veq.s32 v8, $0x0;
	v4 =	vadd.f32 v5, v4  }
0x14d: {  	v5 =	vsel vm15, $0x0, v63  }
0x14e: {  	s18 =	sadd.s32 $0x1, s18;
	v4 =	vadd.f32 v5, v4  }
0x14f: {  	p0 =	sne.s32 s18, s14  }
.Ltmp1:
0x150: {  	[tilespmem:$0x10080] =	vst v4;
	(pc) =	sbr.rel @p0 .LBB2_1-.Ltmp1, $4  }
0x151: {  	[hbm4b:s13+s3] =	stream.linear.scatter [tilespmem:s17], [sflag:$0x2], $0x80, $0x38;
	[tilespmem:$0x10100] =	vst v63  }
0x152: {  	_ =	swait.ge [sflag:s15], $0x80  }
0x153: {  	[sflag:s15] =	ssyncset.done $0x0  }
0x154: {  	[sflag:s15] =	ssyncadd.s32 $0xFFFFFF80  }
0x155: {  	_ =	sfence.sel $0x180000  }
0x156: {  	[bflag:$0x0] =	sbarrier.arrive $0xFFFF  }
0x157: {  	_ =	strace $0x90000047  }
0x158: {  	s0 =	stileid.u32;
	[bflag:$0x2] =	sbarrier.arrive $0xFFFF  }
0x159: {  	p0 =	sne.s32 s0, $0x0;
	s0 =	rddreg [dreg:$0x3]  }
0x15a: {  	s0 =	sadd.s32 @!p0 $0x100000, s0  }
0x15b: {  	[sflag:s0] =	ssyncadd.tile.s32 @!p0 $0x1;
	_ =	shalt  }
.Lfunc_end2:
_tile_overlayer_lowered:
.L_overlay_start_2:
0x15c: {  	(tag) =	ssettag $0x2  }
0x15d: {  	s0 =	rddreg [dreg:$0x0];
	s2 =	stileid.u32  }
0x15e: {  	s1 =	rddreg [dreg:$0x1];
	p0 =	sne.s32 s2, $0x0  }
0x15f: {  	s3 =	rddreg [dreg:$0x2];
	[bflag:$0x3] =	sbarrier.arrive $0xFFFF;
	s2 =	simm.s32 @!p0 $0x1C02  }
0x160: {  	[timem:s3], [sflag:s2] =	dma.local @!p0 [hbm:s0], s1  }
0x161: {  	s0 =	simm.s32 @!p0 $0x2  }
0x162: {  	_ =	swait.ge @!p0 [sflag:s0], s1  }
0x163: {  	s1 =	ssub.s32 @!p0 $0x0, s1;
	[sflag:s0] =	ssyncset.done @!p0 $0x0  }
0x164: {  	[sflag:s0] =	ssyncadd.s32 @!p0 s1  }
0x165: {  	[bflag:$0x3] =	sbarrier.arrive $0xFFFF  }
0x166: {  	_ =	shalt  }

</sc_bundles>
